<compile_context>
chip_gen: v7x
topology: tpu7x:2x2x1
jax: 0.10.2.dev20260603
libtpu: 0.0.44.dev20260713+nightly
codegen_flags: <defaults>
</compile_context>

<pallas_src>
import functools

import numpy as np
import jax
import jax.numpy as jnp
from jax import lax
from jax.experimental import pallas as pl
from jax.experimental.pallas import tpu as pltpu
from jax.experimental.pallas import tpu_sc as plsc

N_ROWS = 4194304
N_DIMS = 4
NC = 2
NS = 16
N_TILES = NC * NS
ROWS_PER_TILE = N_ROWS // N_TILES
CHUNK = 4096
N_CHUNKS = ROWS_PER_TILE // CHUNK

N_BINS = 65536
HCOLS = 128
HROWS = N_BINS // HCOLS
SROWS = HROWS // NS

SCALE = np.float32(16.0 / 6.0)
BIAS = np.float32(3.0) * SCALE


def _sc_body(values, out, buf0, buf1, hist, shared, acc, idx, sem0, sem1):
    c = lax.axis_index("c")
    s = lax.axis_index("s")
    wid = c * NS + s
    base_col = wid * ROWS_PER_TILE

    ones = jnp.ones((16,), jnp.float32)
    zeros = jnp.zeros((16,), jnp.float32)
    lanes = lax.iota(jnp.int32, 16)

    @plsc.parallel_loop(0, HROWS, 16, unroll=2)
    def _(r):
        for k in range(16):
            for j in range(HCOLS // 16):
                hist[r + k, pl.ds(j * 16, 16)] = zeros
        idx[pl.ds(r, 16)] = lanes + r

    pltpu.sync_copy(hist.at[pl.ds(s * SROWS, SROWS)],
                    shared.at[pl.ds(s * SROWS, SROWS)])

    def start(k, buf, sem):
        pltpu.async_copy(
            values.at[:, pl.ds(base_col + k * CHUNK, CHUNK)], buf, sem)

    def wait(buf, sem):
        pltpu.make_async_copy(values.at[:, pl.ds(0, CHUNK)], buf, sem).wait()

    def process(buf):
        @plsc.parallel_loop(0, CHUNK, 16, unroll=4)
        def _(o):
            sl = pl.ds(o, 16)
            t0 = buf[0, sl] * SCALE + BIAS
            t1 = buf[1, sl] * SCALE + BIAS
            t2 = buf[2, sl] * SCALE + BIAS
            t3 = buf[3, sl] * SCALE + BIAS
            t0 = jnp.minimum(jnp.maximum(t0, 0.0), 15.0)
            t1 = jnp.minimum(jnp.maximum(t1, 0.0), 15.0)
            t2 = jnp.minimum(jnp.maximum(t2, 0.0), 15.0)
            t3 = jnp.minimum(jnp.maximum(t3, 0.0), 15.0)
            b0 = t0.astype(jnp.int32)
            b1 = t1.astype(jnp.int32)
            b2 = t2.astype(jnp.int32)
            b3 = t3.astype(jnp.int32)
            code = (b0 * 4096 + b2 * 16) + (b1 * 256 + b3)
            row = lax.shift_right_logical(code, 7)
            col = jnp.bitwise_and(code, 127)
            plsc.addupdate_scatter(hist, [row, col], ones)

    start(0, buf0, sem0)

    def cbody(j, carry):
        j2 = j * 2
        start(j2 + 1, buf1, sem1)
        wait(buf0, sem0)
        process(buf0)

        @pl.when(j2 + 2 < N_CHUNKS)
        def _():
            start(j2 + 2, buf0, sem0)
        wait(buf1, sem1)
        process(buf1)
        return carry

    lax.fori_loop(0, N_CHUNKS // 2, cbody, 0)

    plsc.subcore_barrier()
    pltpu.sync_copy(hist, shared.at[idx], add=True)
    plsc.subcore_barrier()

    pltpu.sync_copy(shared.at[pl.ds(s * SROWS, SROWS)], acc)
    pltpu.sync_copy(acc, out.at[c, pl.ds(s * SROWS, SROWS)])


@functools.partial(
    pl.kernel,
    out_type=jax.ShapeDtypeStruct((NC, HROWS, HCOLS), jnp.float32),
    mesh=plsc.VectorSubcoreMesh(
        core_axis_name="c", subcore_axis_name="s",
        num_cores=NC, num_subcores=NS),
    scratch_types=[
        pltpu.VMEM((N_DIMS, CHUNK), jnp.float32),
        pltpu.VMEM((N_DIMS, CHUNK), jnp.float32),
        pltpu.VMEM((HROWS, HCOLS), jnp.float32),
        pltpu.VMEM_SHARED((HROWS, HCOLS), jnp.float32),
        pltpu.VMEM((SROWS, HCOLS), jnp.float32),
        pltpu.VMEM((HROWS,), jnp.int32),
        pltpu.SemaphoreType.DMA,
        pltpu.SemaphoreType.DMA,
    ],
    compiler_params=pltpu.CompilerParams(needs_layout_passes=False),
)
def _sc_hist(values, out, buf0, buf1, hist, shared, acc, idx, sem0, sem1):
    _sc_body(values, out, buf0, buf1, hist, shared, acc, idx, sem0, sem1)


def _add_cores(p_ref, o_ref):
    o_ref[...] = p_ref[0] + p_ref[1]


def kernel(values):
    partials = _sc_hist(values.T)
    hist2d = pl.pallas_call(
        _add_cores,
        out_shape=jax.ShapeDtypeStruct((HROWS, HCOLS), jnp.float32),
    )(partials)
    return hist2d.reshape(N_BINS)

# --- scband reference (transcript-rebuilt; emitter-appended) ---
"""Pipeline reference for scband-transition-model-88201448391450 (READ-ONLY COPY).

The authoritative reference and input builder live on the scoring server;
editing this copy changes nothing except your own understanding.
"""

import jax, jax.numpy as jnp
import numpy as np

# Discretizer config from init_kwargs: uniform buckets, no normal_params
_RANGES = np.array([[-3.0, 3.0], [-3.0, 3.0], [-3.0, 3.0], [-3.0, 3.0]], dtype=np.float32)
_NUM_BUCKETS = np.array([16, 16, 16, 16], dtype=np.int32)
MINS = jnp.asarray(_RANGES[:, 0])
MAXS = jnp.asarray(_RANGES[:, 1])
NBUCKETS = jnp.asarray(_NUM_BUCKETS)
STEPS = (MAXS - MINS) / NBUCKETS.astype(jnp.float32)
# encode_indices multipliers: mult[i] = prod(num_buckets[i+1:]) (row-major mixed radix)
_mults = np.ones(len(_NUM_BUCKETS), dtype=np.int32)
for i in range(len(_NUM_BUCKETS) - 2, -1, -1):
    _mults[i] = _mults[i + 1] * _NUM_BUCKETS[i + 1]
MULTS = jnp.asarray(_mults)
TOTAL_CODES = int(np.prod(_NUM_BUCKETS))  # 65536


def setup_inputs(seed: int = 0) -> dict:
    key = jax.random.key(seed)
    values = jax.random.normal(key, (4194304, 4), dtype=jnp.float32)
    return {"values": values}


def reference(values):
    # Vectorized Discretizer.discretize over a batch: bucket = int((v - min)/step), clipped
    idx = jnp.floor((values - MINS[None, :]) / STEPS[None, :]).astype(jnp.int32)
    idx = jnp.clip(idx, 0, NBUCKETS[None, :] - 1)
    # Discretizer.encode_indices: mixed-radix encode into a unique integer code
    codes = jnp.sum(idx * MULTS[None, :], axis=1)
    # TransitionModel-style transition-count histogram over encoded buckets (scatter-add)
    hist = jnp.zeros((TOTAL_CODES,), dtype=jnp.float32).at[codes].add(1.0)
    return hist

if __name__ == "__main__":
    import jax
    _d = setup_inputs()
    print(jax.jit(kernel)(*tuple(_d.values())))

</pallas_src>

<mosaic_0001>
#map = affine_map<(d0, d1) -> (0, 0)>
#map1 = affine_map<(d0, d1) -> (0, 0, 0)>
module attributes {stable_mosaic.version = 14 : i64} {
  func.func @_sc_hist(%arg0: i32, %arg1: i32, %arg2: memref<4x4194304xf32, #tpu.memory_space<hbm>>, %arg3: memref<2x512x128xf32, #tpu.memory_space<hbm>>, %arg4: memref<4x4096xf32, #tpu.memory_space<vmem>>, %arg5: memref<4x4096xf32, #tpu.memory_space<vmem>>, %arg6: memref<512x128xf32, #tpu.memory_space<vmem>>, %arg7: memref<512x128xf32, #tpu.memory_space<vmem_shared>>, %arg8: memref<32x128xf32, #tpu.memory_space<vmem>>, %arg9: memref<512xi32, #tpu.memory_space<vmem>>, %arg10: memref<!tpu.dma_semaphore, #tpu.memory_space<semaphore_mem>>, %arg11: memref<!tpu.dma_semaphore, #tpu.memory_space<semaphore_mem>>) attributes {dimension_semantics = [#tpu.dimension_semantics<core_parallel>, #tpu.dimension_semantics<subcore_parallel>], iteration_bounds = array<i64: 2, 16>, scalar_prefetch = 0 : i64, scratch_operands = 8 : i64, tpu.core_type = #tpu.core_type<sc_vector_subcore>, window_params = [{transform_indices = #map}, {transform_indices = #map1}]} {
    %mul3A = arith.constant 16 : i32
    %mul3A_0 = arith.muli %arg0, %mul3A : i32
    %add3A = arith.addi %mul3A_0, %arg1 : i32
    %mul3A_1 = arith.constant 131072 : i32
    %mul3A_2 = arith.muli %add3A, %mul3A_1 : i32
    %broadcast_in_dim3A = arith.constant 1.000000e+00 : f32
    %broadcast_in_dim3A_3 = vector.broadcast %broadcast_in_dim3A : f32 to vector<16xf32>
    %broadcast_in_dim3A_4 = arith.constant 0.000000e+00 : f32
    %broadcast_in_dim3A_5 = vector.broadcast %broadcast_in_dim3A_4 : f32 to vector<16xf32>
    %iota3A = tpu.iota {dimensions = array<i32: 0>} : vector<16xi32>
    %parallel_loop3A = arith.constant 0 : i32
    %parallel_loop3A_6 = arith.constant 512 : i32
    %parallel_loop3A_7 = arith.constant 16 : i32
    scf.for %parallel_loop3A_27 = %parallel_loop3A to %parallel_loop3A_6 step %parallel_loop3A_7  : i32 {
      %parallel_loop3A_28 = arith.constant 0 : i32
      %parallel_loop3A_29 = arith.addi %parallel_loop3A_27, %parallel_loop3A_28 : i32
      %parallel_loop3A_30 = arith.index_cast %parallel_loop3A_29 : i32 to index
      %parallel_loop3A_31 = arith.constant 0 : index
      %parallel_loop3A_32 = tpu.vector_load %arg6[%parallel_loop3A_30, %parallel_loop3A_31] {strides = array<i32>} : memref<512x128xf32, #tpu.memory_space<vmem>>, vector<16xf32>,
      tpu.vector_store %arg6[%parallel_loop3A_30, %parallel_loop3A_31], %broadcast_in_dim3A_5 {strides = array<i32>} : memref<512x128xf32, #tpu.memory_space<vmem>>, vector<16xf32>,
      %parallel_loop3A_33 = arith.constant 0 : i32
      %parallel_loop3A_34 = arith.addi %parallel_loop3A_27, %parallel_loop3A_33 : i32
      %parallel_loop3A_35 = arith.index_cast %parallel_loop3A_34 : i32 to index
      %parallel_loop3A_36 = arith.constant 16 : index
      %parallel_loop3A_37 = tpu.vector_load %arg6[%parallel_loop3A_35, %parallel_loop3A_36] {strides = array<i32>} : memref<512x128xf32, #tpu.memory_space<vmem>>, vector<16xf32>,
      tpu.vector_store %arg6[%parallel_loop3A_35, %parallel_loop3A_36], %broadcast_in_dim3A_5 {strides = array<i32>} : memref<512x128xf32, #tpu.memory_space<vmem>>, vector<16xf32>,
      %parallel_loop3A_38 = arith.constant 0 : i32
      %parallel_loop3A_39 = arith.addi %parallel_loop3A_27, %parallel_loop3A_38 : i32
      %parallel_loop3A_40 = arith.index_cast %parallel_loop3A_39 : i32 to index
      %parallel_loop3A_41 = arith.constant 32 : index
      %parallel_loop3A_42 = tpu.vector_load %arg6[%parallel_loop3A_40, %parallel_loop3A_41] {strides = array<i32>} : memref<512x128xf32, #tpu.memory_space<vmem>>, vector<16xf32>,
      tpu.vector_store %arg6[%parallel_loop3A_40, %parallel_loop3A_41], %broadcast_in_dim3A_5 {strides = array<i32>} : memref<512x128xf32, #tpu.memory_space<vmem>>, vector<16xf32>,
      %parallel_loop3A_43 = arith.constant 0 : i32
      %parallel_loop3A_44 = arith.addi %parallel_loop3A_27, %parallel_loop3A_43 : i32
      %parallel_loop3A_45 = arith.index_cast %parallel_loop3A_44 : i32 to index
      %parallel_loop3A_46 = arith.constant 48 : index
      %parallel_loop3A_47 = tpu.vector_load %arg6[%parallel_loop3A_45, %parallel_loop3A_46] {strides = array<i32>} : memref<512x128xf32, #tpu.memory_space<vmem>>, vector<16xf32>,
      tpu.vector_store %arg6[%parallel_loop3A_45, %parallel_loop3A_46], %broadcast_in_dim3A_5 {strides = array<i32>} : memref<512x128xf32, #tpu.memory_space<vmem>>, vector<16xf32>,
      %parallel_loop3A_48 = arith.constant 0 : i32
      %parallel_loop3A_49 = arith.addi %parallel_loop3A_27, %parallel_loop3A_48 : i32
      %parallel_loop3A_50 = arith.index_cast %parallel_loop3A_49 : i32 to index
      %parallel_loop3A_51 = arith.constant 64 : index
      %parallel_loop3A_52 = tpu.vector_load %arg6[%parallel_loop3A_50, %parallel_loop3A_51] {strides = array<i32>} : memref<512x128xf32, #tpu.memory_space<vmem>>, vector<16xf32>,
      tpu.vector_store %arg6[%parallel_loop3A_50, %parallel_loop3A_51], %broadcast_in_dim3A_5 {strides = array<i32>} : memref<512x128xf32, #tpu.memory_space<vmem>>, vector<16xf32>,
      %parallel_loop3A_53 = arith.constant 0 : i32
      %parallel_loop3A_54 = arith.addi %parallel_loop3A_27, %parallel_loop3A_53 : i32
      %parallel_loop3A_55 = arith.index_cast %parallel_loop3A_54 : i32 to index
      %parallel_loop3A_56 = arith.constant 80 : index
      %parallel_loop3A_57 = tpu.vector_load %arg6[%parallel_loop3A_55, %parallel_loop3A_56] {strides = array<i32>} : memref<512x128xf32, #tpu.memory_space<vmem>>, vector<16xf32>,
      tpu.vector_store %arg6[%parallel_loop3A_55, %parallel_loop3A_56], %broadcast_in_dim3A_5 {strides = array<i32>} : memref<512x128xf32, #tpu.memory_space<vmem>>, vector<16xf32>,
      %parallel_loop3A_58 = arith.constant 0 : i32
      %parallel_loop3A_59 = arith.addi %parallel_loop3A_27, %parallel_loop3A_58 : i32
      %parallel_loop3A_60 = arith.index_cast %parallel_loop3A_59 : i32 to index
      %parallel_loop3A_61 = arith.constant 96 : index
      %parallel_loop3A_62 = tpu.vector_load %arg6[%parallel_loop3A_60, %parallel_loop3A_61] {strides = array<i32>} : memref<512x128xf32, #tpu.memory_space<vmem>>, vector<16xf32>,
      tpu.vector_store %arg6[%parallel_loop3A_60, %parallel_loop3A_61], %broadcast_in_dim3A_5 {strides = array<i32>} : memref<512x128xf32, #tpu.memory_space<vmem>>, vector<16xf32>,
      %parallel_loop3A_63 = arith.constant 0 : i32
      %parallel_loop3A_64 = arith.addi %parallel_loop3A_27, %parallel_loop3A_63 : i32
      %parallel_loop3A_65 = arith.index_cast %parallel_loop3A_64 : i32 to index
      %parallel_loop3A_66 = arith.constant 112 : index
      %parallel_loop3A_67 = tpu.vector_load %arg6[%parallel_loop3A_65, %parallel_loop3A_66] {strides = array<i32>} : memref<512x128xf32, #tpu.memory_space<vmem>>, vector<16xf32>,
      tpu.vector_store %arg6[%parallel_loop3A_65, %parallel_loop3A_66], %broadcast_in_dim3A_5 {strides = array<i32>} : memref<512x128xf32, #tpu.memory_space<vmem>>, vector<16xf32>,
      %parallel_loop3A_68 = arith.constant 1 : i32
      %parallel_loop3A_69 = arith.addi %parallel_loop3A_27, %parallel_loop3A_68 : i32
      %parallel_loop3A_70 = arith.index_cast %parallel_loop3A_69 : i32 to index
      %parallel_loop3A_71 = arith.constant 0 : index
      %parallel_loop3A_72 = tpu.vector_load %arg6[%parallel_loop3A_70, %parallel_loop3A_71] {strides = array<i32>} : memref<512x128xf32, #tpu.memory_space<vmem>>, vector<16xf32>,
      tpu.vector_store %arg6[%parallel_loop3A_70, %parallel_loop3A_71], %broadcast_in_dim3A_5 {strides = array<i32>} : memref<512x128xf32, #tpu.memory_space<vmem>>, vector<16xf32>,
      %parallel_loop3A_73 = arith.constant 1 : i32
      %parallel_loop3A_74 = arith.addi %parallel_loop3A_27, %parallel_loop3A_73 : i32
      %parallel_loop3A_75 = arith.index_cast %parallel_loop3A_74 : i32 to index
      %parallel_loop3A_76 = arith.constant 16 : index
      %parallel_loop3A_77 = tpu.vector_load %arg6[%parallel_loop3A_75, %parallel_loop3A_76] {strides = array<i32>} : memref<512x128xf32, #tpu.memory_space<vmem>>, vector<16xf32>,
      tpu.vector_store %arg6[%parallel_loop3A_75, %parallel_loop3A_76], %broadcast_in_dim3A_5 {strides = array<i32>} : memref<512x128xf32, #tpu.memory_space<vmem>>, vector<16xf32>,
      %parallel_loop3A_78 = arith.constant 1 : i32
      %parallel_loop3A_79 = arith.addi %parallel_loop3A_27, %parallel_loop3A_78 : i32
      %parallel_loop3A_80 = arith.index_cast %parallel_loop3A_79 : i32 to index
      %parallel_loop3A_81 = arith.constant 32 : index
      %parallel_loop3A_82 = tpu.vector_load %arg6[%parallel_loop3A_80, %parallel_loop3A_81] {strides = array<i32>} : memref<512x128xf32, #tpu.memory_space<vmem>>, vector<16xf32>,
      tpu.vector_store %arg6[%parallel_loop3A_80, %parallel_loop3A_81], %broadcast_in_dim3A_5 {strides = array<i32>} : memref<512x128xf32, #tpu.memory_space<vmem>>, vector<16xf32>,
      %parallel_loop3A_83 = arith.constant 1 : i32
      %parallel_loop3A_84 = arith.addi %parallel_loop3A_27, %parallel_loop3A_83 : i32
      %parallel_loop3A_85 = arith.index_cast %parallel_loop3A_84 : i32 to index
      %parallel_loop3A_86 = arith.constant 48 : index
      %parallel_loop3A_87 = tpu.vector_load %arg6[%parallel_loop3A_85, %parallel_loop3A_86] {strides = array<i32>} : memref<512x128xf32, #tpu.memory_space<vmem>>, vector<16xf32>,
      tpu.vector_store %arg6[%parallel_loop3A_85, %parallel_loop3A_86], %broadcast_in_dim3A_5 {strides = array<i32>} : memref<512x128xf32, #tpu.memory_space<vmem>>, vector<16xf32>,
      %parallel_loop3A_88 = arith.constant 1 : i32
      %parallel_loop3A_89 = arith.addi %parallel_loop3A_27, %parallel_loop3A_88 : i32
      %parallel_loop3A_90 = arith.index_cast %parallel_loop3A_89 : i32 to index
      %parallel_loop3A_91 = arith.constant 64 : index
      %parallel_loop3A_92 = tpu.vector_load %arg6[%parallel_loop3A_90, %parallel_loop3A_91] {strides = array<i32>} : memref<512x128xf32, #tpu.memory_space<vmem>>, vector<16xf32>,
      tpu.vector_store %arg6[%parallel_loop3A_90, %parallel_loop3A_91], %broadcast_in_dim3A_5 {strides = array<i32>} : memref<512x128xf32, #tpu.memory_space<vmem>>, vector<16xf32>,
      %parallel_loop3A_93 = arith.constant 1 : i32
      %parallel_loop3A_94 = arith.addi %parallel_loop3A_27, %parallel_loop3A_93 : i32
      %parallel_loop3A_95 = arith.index_cast %parallel_loop3A_94 : i32 to index
      %parallel_loop3A_96 = arith.constant 80 : index
      %parallel_loop3A_97 = tpu.vector_load %arg6[%parallel_loop3A_95, %parallel_loop3A_96] {strides = array<i32>} : memref<512x128xf32, #tpu.memory_space<vmem>>, vector<16xf32>,
      tpu.vector_store %arg6[%parallel_loop3A_95, %parallel_loop3A_96], %broadcast_in_dim3A_5 {strides = array<i32>} : memref<512x128xf32, #tpu.memory_space<vmem>>, vector<16xf32>,
      %parallel_loop3A_98 = arith.constant 1 : i32
      %parallel_loop3A_99 = arith.addi %parallel_loop3A_27, %parallel_loop3A_98 : i32
      %parallel_loop3A_100 = arith.index_cast %parallel_loop3A_99 : i32 to index
      %parallel_loop3A_101 = arith.constant 96 : index
      %parallel_loop3A_102 = tpu.vector_load %arg6[%parallel_loop3A_100, %parallel_loop3A_101] {strides = array<i32>} : memref<512x128xf32, #tpu.memory_space<vmem>>, vector<16xf32>,
      tpu.vector_store %arg6[%parallel_loop3A_100, %parallel_loop3A_101], %broadcast_in_dim3A_5 {strides = array<i32>} : memref<512x128xf32, #tpu.memory_space<vmem>>, vector<16xf32>,
      %parallel_loop3A_103 = arith.constant 1 : i32
      %parallel_loop3A_104 = arith.addi %parallel_loop3A_27, %parallel_loop3A_103 : i32
      %parallel_loop3A_105 = arith.index_cast %parallel_loop3A_104 : i32 to index
      %parallel_loop3A_106 = arith.constant 112 : index
      %parallel_loop3A_107 = tpu.vector_load %arg6[%parallel_loop3A_105, %parallel_loop3A_106] {strides = array<i32>} : memref<512x128xf32, #tpu.memory_space<vmem>>, vector<16xf32>,
      tpu.vector_store %arg6[%parallel_loop3A_105, %parallel_loop3A_106], %broadcast_in_dim3A_5 {strides = array<i32>} : memref<512x128xf32, #tpu.memory_space<vmem>>, vector<16xf32>,
      %parallel_loop3A_108 = arith.constant 2 : i32
      %parallel_loop3A_109 = arith.addi %parallel_loop3A_27, %parallel_loop3A_108 : i32
      %parallel_loop3A_110 = arith.index_cast %parallel_loop3A_109 : i32 to index
      %parallel_loop3A_111 = arith.constant 0 : index
      %parallel_loop3A_112 = tpu.vector_load %arg6[%parallel_loop3A_110, %parallel_loop3A_111] {strides = array<i32>} : memref<512x128xf32, #tpu.memory_space<vmem>>, vector<16xf32>,
      tpu.vector_store %arg6[%parallel_loop3A_110, %parallel_loop3A_111], %broadcast_in_dim3A_5 {strides = array<i32>} : memref<512x128xf32, #tpu.memory_space<vmem>>, vector<16xf32>,
      %parallel_loop3A_113 = arith.constant 2 : i32
      %parallel_loop3A_114 = arith.addi %parallel_loop3A_27, %parallel_loop3A_113 : i32
      %parallel_loop3A_115 = arith.index_cast %parallel_loop3A_114 : i32 to index
      %parallel_loop3A_116 = arith.constant 16 : index
      %parallel_loop3A_117 = tpu.vector_load %arg6[%parallel_loop3A_115, %parallel_loop3A_116] {strides = array<i32>} : memref<512x128xf32, #tpu.memory_space<vmem>>, vector<16xf32>,
      tpu.vector_store %arg6[%parallel_loop3A_115, %parallel_loop3A_116], %broadcast_in_dim3A_5 {strides = array<i32>} : memref<512x128xf32, #tpu.memory_space<vmem>>, vector<16xf32>,
      %parallel_loop3A_118 = arith.constant 2 : i32
      %parallel_loop3A_119 = arith.addi %parallel_loop3A_27, %parallel_loop3A_118 : i32
      %parallel_loop3A_120 = arith.index_cast %parallel_loop3A_119 : i32 to index
      %parallel_loop3A_121 = arith.constant 32 : index
      %parallel_loop3A_122 = tpu.vector_load %arg6[%parallel_loop3A_120, %parallel_loop3A_121] {strides = array<i32>} : memref<512x128xf32, #tpu.memory_space<vmem>>, vector<16xf32>,
      tpu.vector_store %arg6[%parallel_loop3A_120, %parallel_loop3A_121], %broadcast_in_dim3A_5 {strides = array<i32>} : memref<512x128xf32, #tpu.memory_space<vmem>>, vector<16xf32>,
      %parallel_loop3A_123 = arith.constant 2 : i32
      %parallel_loop3A_124 = arith.addi %parallel_loop3A_27, %parallel_loop3A_123 : i32
      %parallel_loop3A_125 = arith.index_cast %parallel_loop3A_124 : i32 to index
      %parallel_loop3A_126 = arith.constant 48 : index
      %parallel_loop3A_127 = tpu.vector_load %arg6[%parallel_loop3A_125, %parallel_loop3A_126] {strides = array<i32>} : memref<512x128xf32, #tpu.memory_space<vmem>>, vector<16xf32>,
      tpu.vector_store %arg6[%parallel_loop3A_125, %parallel_loop3A_126], %broadcast_in_dim3A_5 {strides = array<i32>} : memref<512x128xf32, #tpu.memory_space<vmem>>, vector<16xf32>,
      %parallel_loop3A_128 = arith.constant 2 : i32
      %parallel_loop3A_129 = arith.addi %parallel_loop3A_27, %parallel_loop3A_128 : i32
      %parallel_loop3A_130 = arith.index_cast %parallel_loop3A_129 : i32 to index
      %parallel_loop3A_131 = arith.constant 64 : index
      %parallel_loop3A_132 = tpu.vector_load %arg6[%parallel_loop3A_130, %parallel_loop3A_131] {strides = array<i32>} : memref<512x128xf32, #tpu.memory_space<vmem>>, vector<16xf32>,
      tpu.vector_store %arg6[%parallel_loop3A_130, %parallel_loop3A_131], %broadcast_in_dim3A_5 {strides = array<i32>} : memref<512x128xf32, #tpu.memory_space<vmem>>, vector<16xf32>,
      %parallel_loop3A_133 = arith.constant 2 : i32
      %parallel_loop3A_134 = arith.addi %parallel_loop3A_27, %parallel_loop3A_133 : i32
      %parallel_loop3A_135 = arith.index_cast %parallel_loop3A_134 : i32 to index
      %parallel_loop3A_136 = arith.constant 80 : index
      %parallel_loop3A_137 = tpu.vector_load %arg6[%parallel_loop3A_135, %parallel_loop3A_136] {strides = array<i32>} : memref<512x128xf32, #tpu.memory_space<vmem>>, vector<16xf32>,
      tpu.vector_store %arg6[%parallel_loop3A_135, %parallel_loop3A_136], %broadcast_in_dim3A_5 {strides = array<i32>} : memref<512x128xf32, #tpu.memory_space<vmem>>, vector<16xf32>,
      %parallel_loop3A_138 = arith.constant 2 : i32
      %parallel_loop3A_139 = arith.addi %parallel_loop3A_27, %parallel_loop3A_138 : i32
      %parallel_loop3A_140 = arith.index_cast %parallel_loop3A_139 : i32 to index
      %parallel_loop3A_141 = arith.constant 96 : index
      %parallel_loop3A_142 = tpu.vector_load %arg6[%parallel_loop3A_140, %parallel_loop3A_141] {strides = array<i32>} : memref<512x128xf32, #tpu.memory_space<vmem>>, vector<16xf32>,
      tpu.vector_store %arg6[%parallel_loop3A_140, %parallel_loop3A_141], %broadcast_in_dim3A_5 {strides = array<i32>} : memref<512x128xf32, #tpu.memory_space<vmem>>, vector<16xf32>,
      %parallel_loop3A_143 = arith.constant 2 : i32
      %parallel_loop3A_144 = arith.addi %parallel_loop3A_27, %parallel_loop3A_143 : i32
      %parallel_loop3A_145 = arith.index_cast %parallel_loop3A_144 : i32 to index
      %parallel_loop3A_146 = arith.constant 112 : index
      %parallel_loop3A_147 = tpu.vector_load %arg6[%parallel_loop3A_145, %parallel_loop3A_146] {strides = array<i32>} : memref<512x128xf32, #tpu.memory_space<vmem>>, vector<16xf32>,
      tpu.vector_store %arg6[%parallel_loop3A_145, %parallel_loop3A_146], %broadcast_in_dim3A_5 {strides = array<i32>} : memref<512x128xf32, #tpu.memory_space<vmem>>, vector<16xf32>,
      %parallel_loop3A_148 = arith.constant 3 : i32
      %parallel_loop3A_149 = arith.addi %parallel_loop3A_27, %parallel_loop3A_148 : i32
      %parallel_loop3A_150 = arith.index_cast %parallel_loop3A_149 : i32 to index
      %parallel_loop3A_151 = arith.constant 0 : index
      %parallel_loop3A_152 = tpu.vector_load %arg6[%parallel_loop3A_150, %parallel_loop3A_151] {strides = array<i32>} : memref<512x128xf32, #tpu.memory_space<vmem>>, vector<16xf32>,
      tpu.vector_store %arg6[%parallel_loop3A_150, %parallel_loop3A_151], %broadcast_in_dim3A_5 {strides = array<i32>} : memref<512x128xf32, #tpu.memory_space<vmem>>, vector<16xf32>,
      %parallel_loop3A_153 = arith.constant 3 : i32
      %parallel_loop3A_154 = arith.addi %parallel_loop3A_27, %parallel_loop3A_153 : i32
      %parallel_loop3A_155 = arith.index_cast %parallel_loop3A_154 : i32 to index
      %parallel_loop3A_156 = arith.constant 16 : index
      %parallel_loop3A_157 = tpu.vector_load %arg6[%parallel_loop3A_155, %parallel_loop3A_156] {strides = array<i32>} : memref<512x128xf32, #tpu.memory_space<vmem>>, vector<16xf32>,
      tpu.vector_store %arg6[%parallel_loop3A_155, %parallel_loop3A_156], %broadcast_in_dim3A_5 {strides = array<i32>} : memref<512x128xf32, #tpu.memory_space<vmem>>, vector<16xf32>,
      %parallel_loop3A_158 = arith.constant 3 : i32
      %parallel_loop3A_159 = arith.addi %parallel_loop3A_27, %parallel_loop3A_158 : i32
      %parallel_loop3A_160 = arith.index_cast %parallel_loop3A_159 : i32 to index
      %parallel_loop3A_161 = arith.constant 32 : index
      %parallel_loop3A_162 = tpu.vector_load %arg6[%parallel_loop3A_160, %parallel_loop3A_161] {strides = array<i32>} : memref<512x128xf32, #tpu.memory_space<vmem>>, vector<16xf32>,
      tpu.vector_store %arg6[%parallel_loop3A_160, %parallel_loop3A_161], %broadcast_in_dim3A_5 {strides = array<i32>} : memref<512x128xf32, #tpu.memory_space<vmem>>, vector<16xf32>,
      %parallel_loop3A_163 = arith.constant 3 : i32
      %parallel_loop3A_164 = arith.addi %parallel_loop3A_27, %parallel_loop3A_163 : i32
      %parallel_loop3A_165 = arith.index_cast %parallel_loop3A_164 : i32 to index
      %parallel_loop3A_166 = arith.constant 48 : index
      %parallel_loop3A_167 = tpu.vector_load %arg6[%parallel_loop3A_165, %parallel_loop3A_166] {strides = array<i32>} : memref<512x128xf32, #tpu.memory_space<vmem>>, vector<16xf32>,
      tpu.vector_store %arg6[%parallel_loop3A_165, %parallel_loop3A_166], %broadcast_in_dim3A_5 {strides = array<i32>} : memref<512x128xf32, #tpu.memory_space<vmem>>, vector<16xf32>,
      %parallel_loop3A_168 = arith.constant 3 : i32
      %parallel_loop3A_169 = arith.addi %parallel_loop3A_27, %parallel_loop3A_168 : i32
      %parallel_loop3A_170 = arith.index_cast %parallel_loop3A_169 : i32 to index
      %parallel_loop3A_171 = arith.constant 64 : index
      %parallel_loop3A_172 = tpu.vector_load %arg6[%parallel_loop3A_170, %parallel_loop3A_171] {strides = array<i32>} : memref<512x128xf32, #tpu.memory_space<vmem>>, vector<16xf32>,
      tpu.vector_store %arg6[%parallel_loop3A_170, %parallel_loop3A_171], %broadcast_in_dim3A_5 {strides = array<i32>} : memref<512x128xf32, #tpu.memory_space<vmem>>, vector<16xf32>,
      %parallel_loop3A_173 = arith.constant 3 : i32
      %parallel_loop3A_174 = arith.addi %parallel_loop3A_27, %parallel_loop3A_173 : i32
      %parallel_loop3A_175 = arith.index_cast %parallel_loop3A_174 : i32 to index
      %parallel_loop3A_176 = arith.constant 80 : index
      %parallel_loop3A_177 = tpu.vector_load %arg6[%parallel_loop3A_175, %parallel_loop3A_176] {strides = array<i32>} : memref<512x128xf32, #tpu.memory_space<vmem>>, vector<16xf32>,
      tpu.vector_store %arg6[%parallel_loop3A_175, %parallel_loop3A_176], %broadcast_in_dim3A_5 {strides = array<i32>} : memref<512x128xf32, #tpu.memory_space<vmem>>, vector<16xf32>,
      %parallel_loop3A_178 = arith.constant 3 : i32
      %parallel_loop3A_179 = arith.addi %parallel_loop3A_27, %parallel_loop3A_178 : i32
      %parallel_loop3A_180 = arith.index_cast %parallel_loop3A_179 : i32 to index
      %parallel_loop3A_181 = arith.constant 96 : index
      %parallel_loop3A_182 = tpu.vector_load %arg6[%parallel_loop3A_180, %parallel_loop3A_181] {strides = array<i32>} : memref<512x128xf32, #tpu.memory_space<vmem>>, vector<16xf32>,
      tpu.vector_store %arg6[%parallel_loop3A_180, %parallel_loop3A_181], %broadcast_in_dim3A_5 {strides = array<i32>} : memref<512x128xf32, #tpu.memory_space<vmem>>, vector<16xf32>,
      %parallel_loop3A_183 = arith.constant 3 : i32
      %parallel_loop3A_184 = arith.addi %parallel_loop3A_27, %parallel_loop3A_183 : i32
      %parallel_loop3A_185 = arith.index_cast %parallel_loop3A_184 : i32 to index
      %parallel_loop3A_186 = arith.constant 112 : index
      %parallel_loop3A_187 = tpu.vector_load %arg6[%parallel_loop3A_185, %parallel_loop3A_186] {strides = array<i32>} : memref<512x128xf32, #tpu.memory_space<vmem>>, vector<16xf32>,
      tpu.vector_store %arg6[%parallel_loop3A_185, %parallel_loop3A_186], %broadcast_in_dim3A_5 {strides = array<i32>} : memref<512x128xf32, #tpu.memory_space<vmem>>, vector<16xf32>,
      %parallel_loop3A_188 = arith.constant 4 : i32
      %parallel_loop3A_189 = arith.addi %parallel_loop3A_27, %parallel_loop3A_188 : i32
      %parallel_loop3A_190 = arith.index_cast %parallel_loop3A_189 : i32 to index
      %parallel_loop3A_191 = arith.constant 0 : index
      %parallel_loop3A_192 = tpu.vector_load %arg6[%parallel_loop3A_190, %parallel_loop3A_191] {strides = array<i32>} : memref<512x128xf32, #tpu.memory_space<vmem>>, vector<16xf32>,
      tpu.vector_store %arg6[%parallel_loop3A_190, %parallel_loop3A_191], %broadcast_in_dim3A_5 {strides = array<i32>} : memref<512x128xf32, #tpu.memory_space<vmem>>, vector<16xf32>,
      %parallel_loop3A_193 = arith.constant 4 : i32
      %parallel_loop3A_194 = arith.addi %parallel_loop3A_27, %parallel_loop3A_193 : i32
      %parallel_loop3A_195 = arith.index_cast %parallel_loop3A_194 : i32 to index
      %parallel_loop3A_196 = arith.constant 16 : index
      %parallel_loop3A_197 = tpu.vector_load %arg6[%parallel_loop3A_195, %parallel_loop3A_196] {strides = array<i32>} : memref<512x128xf32, #tpu.memory_space<vmem>>, vector<16xf32>,
      tpu.vector_store %arg6[%parallel_loop3A_195, %parallel_loop3A_196], %broadcast_in_dim3A_5 {strides = array<i32>} : memref<512x128xf32, #tpu.memory_space<vmem>>, vector<16xf32>,
      %parallel_loop3A_198 = arith.constant 4 : i32
      %parallel_loop3A_199 = arith.addi %parallel_loop3A_27, %parallel_loop3A_198 : i32
      %parallel_loop3A_200 = arith.index_cast %parallel_loop3A_199 : i32 to index
      %parallel_loop3A_201 = arith.constant 32 : index
      %parallel_loop3A_202 = tpu.vector_load %arg6[%parallel_loop3A_200, %parallel_loop3A_201] {strides = array<i32>} : memref<512x128xf32, #tpu.memory_space<vmem>>, vector<16xf32>,
      tpu.vector_store %arg6[%parallel_loop3A_200, %parallel_loop3A_201], %broadcast_in_dim3A_5 {strides = array<i32>} : memref<512x128xf32, #tpu.memory_space<vmem>>, vector<16xf32>,
      %parallel_loop3A_203 = arith.constant 4 : i32
      %parallel_loop3A_204 = arith.addi %parallel_loop3A_27, %parallel_loop3A_203 : i32
      %parallel_loop3A_205 = arith.index_cast %parallel_loop3A_204 : i32 to index
      %parallel_loop3A_206 = arith.constant 48 : index
      %parallel_loop3A_207 = tpu.vector_load %arg6[%parallel_loop3A_205, %parallel_loop3A_206] {strides = array<i32>} : memref<512x128xf32, #tpu.memory_space<vmem>>, vector<16xf32>,
      tpu.vector_store %arg6[%parallel_loop3A_205, %parallel_loop3A_206], %broadcast_in_dim3A_5 {strides = array<i32>} : memref<512x128xf32, #tpu.memory_space<vmem>>, vector<16xf32>,
      %parallel_loop3A_208 = arith.constant 4 : i32
      %parallel_loop3A_209 = arith.addi %parallel_loop3A_27, %parallel_loop3A_208 : i32
      %parallel_loop3A_210 = arith.index_cast %parallel_loop3A_209 : i32 to index
      %parallel_loop3A_211 = arith.constant 64 : index
      %parallel_loop3A_212 = tpu.vector_load %arg6[%parallel_loop3A_210, %parallel_loop3A_211] {strides = array<i32>} : memref<512x128xf32, #tpu.memory_space<vmem>>, vector<16xf32>,
      tpu.vector_store %arg6[%parallel_loop3A_210, %parallel_loop3A_211], %broadcast_in_dim3A_5 {strides = array<i32>} : memref<512x128xf32, #tpu.memory_space<vmem>>, vector<16xf32>,
      %parallel_loop3A_213 = arith.constant 4 : i32
      %parallel_loop3A_214 = arith.addi %parallel_loop3A_27, %parallel_loop3A_213 : i32
      %parallel_loop3A_215 = arith.index_cast %parallel_loop3A_214 : i32 to index
      %parallel_loop3A_216 = arith.constant 80 : index
      %parallel_loop3A_217 = tpu.vector_load %arg6[%parallel_loop3A_215, %parallel_loop3A_216] {strides = array<i32>} : memref<512x128xf32, #tpu.memory_space<vmem>>, vector<16xf32>,
      tpu.vector_store %arg6[%parallel_loop3A_215, %parallel_loop3A_216], %broadcast_in_dim3A_5 {strides = array<i32>} : memref<512x128xf32, #tpu.memory_space<vmem>>, vector<16xf32>,
      %parallel_loop3A_218 = arith.constant 4 : i32
      %parallel_loop3A_219 = arith.addi %parallel_loop3A_27, %parallel_loop3A_218 : i32
      %parallel_loop3A_220 = arith.index_cast %parallel_loop3A_219 : i32 to index
      %parallel_loop3A_221 = arith.constant 96 : index
      %parallel_loop3A_222 = tpu.vector_load %arg6[%parallel_loop3A_220, %parallel_loop3A_221] {strides = array<i32>} : memref<512x128xf32, #tpu.memory_space<vmem>>, vector<16xf32>,
      tpu.vector_store %arg6[%parallel_loop3A_220, %parallel_loop3A_221], %broadcast_in_dim3A_5 {strides = array<i32>} : memref<512x128xf32, #tpu.memory_space<vmem>>, vector<16xf32>,
      %parallel_loop3A_223 = arith.constant 4 : i32
      %parallel_loop3A_224 = arith.addi %parallel_loop3A_27, %parallel_loop3A_223 : i32
      %parallel_loop3A_225 = arith.index_cast %parallel_loop3A_224 : i32 to index
      %parallel_loop3A_226 = arith.constant 112 : index
      %parallel_loop3A_227 = tpu.vector_load %arg6[%parallel_loop3A_225, %parallel_loop3A_226] {strides = array<i32>} : memref<512x128xf32, #tpu.memory_space<vmem>>, vector<16xf32>,
      tpu.vector_store %arg6[%parallel_loop3A_225, %parallel_loop3A_226], %broadcast_in_dim3A_5 {strides = array<i32>} : memref<512x128xf32, #tpu.memory_space<vmem>>, vector<16xf32>,
      %parallel_loop3A_228 = arith.constant 5 : i32
      %parallel_loop3A_229 = arith.addi %parallel_loop3A_27, %parallel_loop3A_228 : i32
      %parallel_loop3A_230 = arith.index_cast %parallel_loop3A_229 : i32 to index
      %parallel_loop3A_231 = arith.constant 0 : index
      %parallel_loop3A_232 = tpu.vector_load %arg6[%parallel_loop3A_230, %parallel_loop3A_231] {strides = array<i32>} : memref<512x128xf32, #tpu.memory_space<vmem>>, vector<16xf32>,
      tpu.vector_store %arg6[%parallel_loop3A_230, %parallel_loop3A_231], %broadcast_in_dim3A_5 {strides = array<i32>} : memref<512x128xf32, #tpu.memory_space<vmem>>, vector<16xf32>,
      %parallel_loop3A_233 = arith.constant 5 : i32
      %parallel_loop3A_234 = arith.addi %parallel_loop3A_27, %parallel_loop3A_233 : i32
      %parallel_loop3A_235 = arith.index_cast %parallel_loop3A_234 : i32 to index
      %parallel_loop3A_236 = arith.constant 16 : index
      %parallel_loop3A_237 = tpu.vector_load %arg6[%parallel_loop3A_235, %parallel_loop3A_236] {strides = array<i32>} : memref<512x128xf32, #tpu.memory_space<vmem>>, vector<16xf32>,
      tpu.vector_store %arg6[%parallel_loop3A_235, %parallel_loop3A_236], %broadcast_in_dim3A_5 {strides = array<i32>} : memref<512x128xf32, #tpu.memory_space<vmem>>, vector<16xf32>,
      %parallel_loop3A_238 = arith.constant 5 : i32
      %parallel_loop3A_239 = arith.addi %parallel_loop3A_27, %parallel_loop3A_238 : i32
      %parallel_loop3A_240 = arith.index_cast %parallel_loop3A_239 : i32 to index
      %parallel_loop3A_241 = arith.constant 32 : index
      %parallel_loop3A_242 = tpu.vector_load %arg6[%parallel_loop3A_240, %parallel_loop3A_241] {strides = array<i32>} : memref<512x128xf32, #tpu.memory_space<vmem>>, vector<16xf32>,
      tpu.vector_store %arg6[%parallel_loop3A_240, %parallel_loop3A_241], %broadcast_in_dim3A_5 {strides = array<i32>} : memref<512x128xf32, #tpu.memory_space<vmem>>, vector<16xf32>,
      %parallel_loop3A_243 = arith.constant 5 : i32
      %parallel_loop3A_244 = arith.addi %parallel_loop3A_27, %parallel_loop3A_243 : i32
      %parallel_loop3A_245 = arith.index_cast %parallel_loop3A_244 : i32 to index
      %parallel_loop3A_246 = arith.constant 48 : index
      %parallel_loop3A_247 = tpu.vector_load %arg6[%parallel_loop3A_245, %parallel_loop3A_246] {strides = array<i32>} : memref<512x128xf32, #tpu.memory_space<vmem>>, vector<16xf32>,
      tpu.vector_store %arg6[%parallel_loop3A_245, %parallel_loop3A_246], %broadcast_in_dim3A_5 {strides = array<i32>} : memref<512x128xf32, #tpu.memory_space<vmem>>, vector<16xf32>,
      %parallel_loop3A_248 = arith.constant 5 : i32
      %parallel_loop3A_249 = arith.addi %parallel_loop3A_27, %parallel_loop3A_248 : i32
      %parallel_loop3A_250 = arith.index_cast %parallel_loop3A_249 : i32 to index
      %parallel_loop3A_251 = arith.constant 64 : index
      %parallel_loop3A_252 = tpu.vector_load %arg6[%parallel_loop3A_250, %parallel_loop3A_251] {strides = array<i32>} : memref<512x128xf32, #tpu.memory_space<vmem>>, vector<16xf32>,
      tpu.vector_store %arg6[%parallel_loop3A_250, %parallel_loop3A_251], %broadcast_in_dim3A_5 {strides = array<i32>} : memref<512x128xf32, #tpu.memory_space<vmem>>, vector<16xf32>,
      %parallel_loop3A_253 = arith.constant 5 : i32
      %parallel_loop3A_254 = arith.addi %parallel_loop3A_27, %parallel_loop3A_253 : i32
      %parallel_loop3A_255 = arith.index_cast %parallel_loop3A_254 : i32 to index
      %parallel_loop3A_256 = arith.constant 80 : index
      %parallel_loop3A_257 = tpu.vector_load %arg6[%parallel_loop3A_255, %parallel_loop3A_256] {strides = array<i32>} : memref<512x128xf32, #tpu.memory_space<vmem>>, vector<16xf32>,
      tpu.vector_store %arg6[%parallel_loop3A_255, %parallel_loop3A_256], %broadcast_in_dim3A_5 {strides = array<i32>} : memref<512x128xf32, #tpu.memory_space<vmem>>, vector<16xf32>,
      %parallel_loop3A_258 = arith.constant 5 : i32
      %parallel_loop3A_259 = arith.addi %parallel_loop3A_27, %parallel_loop3A_258 : i32
      %parallel_loop3A_260 = arith.index_cast %parallel_loop3A_259 : i32 to index
      %parallel_loop3A_261 = arith.constant 96 : index
      %parallel_loop3A_262 = tpu.vector_load %arg6[%parallel_loop3A_260, %parallel_loop3A_261] {strides = array<i32>} : memref<512x128xf32, #tpu.memory_space<vmem>>, vector<16xf32>,
      tpu.vector_store %arg6[%parallel_loop3A_260, %parallel_loop3A_261], %broadcast_in_dim3A_5 {strides = array<i32>} : memref<512x128xf32, #tpu.memory_space<vmem>>, vector<16xf32>,
      %parallel_loop3A_263 = arith.constant 5 : i32
      %parallel_loop3A_264 = arith.addi %parallel_loop3A_27, %parallel_loop3A_263 : i32
      %parallel_loop3A_265 = arith.index_cast %parallel_loop3A_264 : i32 to index
      %parallel_loop3A_266 = arith.constant 112 : index
      %parallel_loop3A_267 = tpu.vector_load %arg6[%parallel_loop3A_265, %parallel_loop3A_266] {strides = array<i32>} : memref<512x128xf32, #tpu.memory_space<vmem>>, vector<16xf32>,
      tpu.vector_store %arg6[%parallel_loop3A_265, %parallel_loop3A_266], %broadcast_in_dim3A_5 {strides = array<i32>} : memref<512x128xf32, #tpu.memory_space<vmem>>, vector<16xf32>,
      %parallel_loop3A_268 = arith.constant 6 : i32
      %parallel_loop3A_269 = arith.addi %parallel_loop3A_27, %parallel_loop3A_268 : i32
      %parallel_loop3A_270 = arith.index_cast %parallel_loop3A_269 : i32 to index
      %parallel_loop3A_271 = arith.constant 0 : index
      %parallel_loop3A_272 = tpu.vector_load %arg6[%parallel_loop3A_270, %parallel_loop3A_271] {strides = array<i32>} : memref<512x128xf32, #tpu.memory_space<vmem>>, vector<16xf32>,
      tpu.vector_store %arg6[%parallel_loop3A_270, %parallel_loop3A_271], %broadcast_in_dim3A_5 {strides = array<i32>} : memref<512x128xf32, #tpu.memory_space<vmem>>, vector<16xf32>,
      %parallel_loop3A_273 = arith.constant 6 : i32
      %parallel_loop3A_274 = arith.addi %parallel_loop3A_27, %parallel_loop3A_273 : i32
      %parallel_loop3A_275 = arith.index_cast %parallel_loop3A_274 : i32 to index
      %parallel_loop3A_276 = arith.constant 16 : index
      %parallel_loop3A_277 = tpu.vector_load %arg6[%parallel_loop3A_275, %parallel_loop3A_276] {strides = array<i32>} : memref<512x128xf32, #tpu.memory_space<vmem>>, vector<16xf32>,
      tpu.vector_store %arg6[%parallel_loop3A_275, %parallel_loop3A_276], %broadcast_in_dim3A_5 {strides = array<i32>} : memref<512x128xf32, #tpu.memory_space<vmem>>, vector<16xf32>,
      %parallel_loop3A_278 = arith.constant 6 : i32
      %parallel_loop3A_279 = arith.addi %parallel_loop3A_27, %parallel_loop3A_278 : i32
      %parallel_loop3A_280 = arith.index_cast %parallel_loop3A_279 : i32 to index
      %parallel_loop3A_281 = arith.constant 32 : index
      %parallel_loop3A_282 = tpu.vector_load %arg6[%parallel_loop3A_280, %parallel_loop3A_281] {strides = array<i32>} : memref<512x128xf32, #tpu.memory_space<vmem>>, vector<16xf32>,
      tpu.vector_store %arg6[%parallel_loop3A_280, %parallel_loop3A_281], %broadcast_in_dim3A_5 {strides = array<i32>} : memref<512x128xf32, #tpu.memory_space<vmem>>, vector<16xf32>,
      %parallel_loop3A_283 = arith.constant 6 : i32
      %parallel_loop3A_284 = arith.addi %parallel_loop3A_27, %parallel_loop3A_283 : i32
      %parallel_loop3A_285 = arith.index_cast %parallel_loop3A_284 : i32 to index
      %parallel_loop3A_286 = arith.constant 48 : index
      %parallel_loop3A_287 = tpu.vector_load %arg6[%parallel_loop3A_285, %parallel_loop3A_286] {strides = array<i32>} : memref<512x128xf32, #tpu.memory_space<vmem>>, vector<16xf32>,
      tpu.vector_store %arg6[%parallel_loop3A_285, %parallel_loop3A_286], %broadcast_in_dim3A_5 {strides = array<i32>} : memref<512x128xf32, #tpu.memory_space<vmem>>, vector<16xf32>,
      %parallel_loop3A_288 = arith.constant 6 : i32
      %parallel_loop3A_289 = arith.addi %parallel_loop3A_27, %parallel_loop3A_288 : i32
      %parallel_loop3A_290 = arith.index_cast %parallel_loop3A_289 : i32 to index
      %parallel_loop3A_291 = arith.constant 64 : index
      %parallel_loop3A_292 = tpu.vector_load %arg6[%parallel_loop3A_290, %parallel_loop3A_291] {strides = array<i32>} : memref<512x128xf32, #tpu.memory_space<vmem>>, vector<16xf32>,
      tpu.vector_store %arg6[%parallel_loop3A_290, %parallel_loop3A_291], %broadcast_in_dim3A_5 {strides = array<i32>} : memref<512x128xf32, #tpu.memory_space<vmem>>, vector<16xf32>,
      %parallel_loop3A_293 = arith.constant 6 : i32
      %parallel_loop3A_294 = arith.addi %parallel_loop3A_27, %parallel_loop3A_293 : i32
      %parallel_loop3A_295 = arith.index_cast %parallel_loop3A_294 : i32 to index
      %parallel_loop3A_296 = arith.constant 80 : index
      %parallel_loop3A_297 = tpu.vector_load %arg6[%parallel_loop3A_295, %parallel_loop3A_296] {strides = array<i32>} : memref<512x128xf32, #tpu.memory_space<vmem>>, vector<16xf32>,
      tpu.vector_store %arg6[%parallel_loop3A_295, %parallel_loop3A_296], %broadcast_in_dim3A_5 {strides = array<i32>} : memref<512x128xf32, #tpu.memory_space<vmem>>, vector<16xf32>,
      %parallel_loop3A_298 = arith.constant 6 : i32
      %parallel_loop3A_299 = arith.addi %parallel_loop3A_27, %parallel_loop3A_298 : i32
      %parallel_loop3A_300 = arith.index_cast %parallel_loop3A_299 : i32 to index
      %parallel_loop3A_301 = arith.constant 96 : index
      %parallel_loop3A_302 = tpu.vector_load %arg6[%parallel_loop3A_300, %parallel_loop3A_301] {strides = array<i32>} : memref<512x128xf32, #tpu.memory_space<vmem>>, vector<16xf32>,
      tpu.vector_store %arg6[%parallel_loop3A_300, %parallel_loop3A_301], %broadcast_in_dim3A_5 {strides = array<i32>} : memref<512x128xf32, #tpu.memory_space<vmem>>, vector<16xf32>,
      %parallel_loop3A_303 = arith.constant 6 : i32
      %parallel_loop3A_304 = arith.addi %parallel_loop3A_27, %parallel_loop3A_303 : i32
      %parallel_loop3A_305 = arith.index_cast %parallel_loop3A_304 : i32 to index
      %parallel_loop3A_306 = arith.constant 112 : index
      %parallel_loop3A_307 = tpu.vector_load %arg6[%parallel_loop3A_305, %parallel_loop3A_306] {strides = array<i32>} : memref<512x128xf32, #tpu.memory_space<vmem>>, vector<16xf32>,
      tpu.vector_store %arg6[%parallel_loop3A_305, %parallel_loop3A_306], %broadcast_in_dim3A_5 {strides = array<i32>} : memref<512x128xf32, #tpu.memory_space<vmem>>, vector<16xf32>,
      %parallel_loop3A_308 = arith.constant 7 : i32
      %parallel_loop3A_309 = arith.addi %parallel_loop3A_27, %parallel_loop3A_308 : i32
      %parallel_loop3A_310 = arith.index_cast %parallel_loop3A_309 : i32 to index
      %parallel_loop3A_311 = arith.constant 0 : index
      %parallel_loop3A_312 = tpu.vector_load %arg6[%parallel_loop3A_310, %parallel_loop3A_311] {strides = array<i32>} : memref<512x128xf32, #tpu.memory_space<vmem>>, vector<16xf32>,
      tpu.vector_store %arg6[%parallel_loop3A_310, %parallel_loop3A_311], %broadcast_in_dim3A_5 {strides = array<i32>} : memref<512x128xf32, #tpu.memory_space<vmem>>, vector<16xf32>,
      %parallel_loop3A_313 = arith.constant 7 : i32
      %parallel_loop3A_314 = arith.addi %parallel_loop3A_27, %parallel_loop3A_313 : i32
      %parallel_loop3A_315 = arith.index_cast %parallel_loop3A_314 : i32 to index
      %parallel_loop3A_316 = arith.constant 16 : index
      %parallel_loop3A_317 = tpu.vector_load %arg6[%parallel_loop3A_315, %parallel_loop3A_316] {strides = array<i32>} : memref<512x128xf32, #tpu.memory_space<vmem>>, vector<16xf32>,
      tpu.vector_store %arg6[%parallel_loop3A_315, %parallel_loop3A_316], %broadcast_in_dim3A_5 {strides = array<i32>} : memref<512x128xf32, #tpu.memory_space<vmem>>, vector<16xf32>,
      %parallel_loop3A_318 = arith.constant 7 : i32
      %parallel_loop3A_319 = arith.addi %parallel_loop3A_27, %parallel_loop3A_318 : i32
      %parallel_loop3A_320 = arith.index_cast %parallel_loop3A_319 : i32 to index
      %parallel_loop3A_321 = arith.constant 32 : index
      %parallel_loop3A_322 = tpu.vector_load %arg6[%parallel_loop3A_320, %parallel_loop3A_321] {strides = array<i32>} : memref<512x128xf32, #tpu.memory_space<vmem>>, vector<16xf32>,
      tpu.vector_store %arg6[%parallel_loop3A_320, %parallel_loop3A_321], %broadcast_in_dim3A_5 {strides = array<i32>} : memref<512x128xf32, #tpu.memory_space<vmem>>, vector<16xf32>,
      %parallel_loop3A_323 = arith.constant 7 : i32
      %parallel_loop3A_324 = arith.addi %parallel_loop3A_27, %parallel_loop3A_323 : i32
      %parallel_loop3A_325 = arith.index_cast %parallel_loop3A_324 : i32 to index
      %parallel_loop3A_326 = arith.constant 48 : index
      %parallel_loop3A_327 = tpu.vector_load %arg6[%parallel_loop3A_325, %parallel_loop3A_326] {strides = array<i32>} : memref<512x128xf32, #tpu.memory_space<vmem>>, vector<16xf32>,
      tpu.vector_store %arg6[%parallel_loop3A_325, %parallel_loop3A_326], %broadcast_in_dim3A_5 {strides = array<i32>} : memref<512x128xf32, #tpu.memory_space<vmem>>, vector<16xf32>,
      %parallel_loop3A_328 = arith.constant 7 : i32
      %parallel_loop3A_329 = arith.addi %parallel_loop3A_27, %parallel_loop3A_328 : i32
      %parallel_loop3A_330 = arith.index_cast %parallel_loop3A_329 : i32 to index
      %parallel_loop3A_331 = arith.constant 64 : index
      %parallel_loop3A_332 = tpu.vector_load %arg6[%parallel_loop3A_330, %parallel_loop3A_331] {strides = array<i32>} : memref<512x128xf32, #tpu.memory_space<vmem>>, vector<16xf32>,
      tpu.vector_store %arg6[%parallel_loop3A_330, %parallel_loop3A_331], %broadcast_in_dim3A_5 {strides = array<i32>} : memref<512x128xf32, #tpu.memory_space<vmem>>, vector<16xf32>,
      %parallel_loop3A_333 = arith.constant 7 : i32
      %parallel_loop3A_334 = arith.addi %parallel_loop3A_27, %parallel_loop3A_333 : i32
      %parallel_loop3A_335 = arith.index_cast %parallel_loop3A_334 : i32 to index
      %parallel_loop3A_336 = arith.constant 80 : index
      %parallel_loop3A_337 = tpu.vector_load %arg6[%parallel_loop3A_335, %parallel_loop3A_336] {strides = array<i32>} : memref<512x128xf32, #tpu.memory_space<vmem>>, vector<16xf32>,
      tpu.vector_store %arg6[%parallel_loop3A_335, %parallel_loop3A_336], %broadcast_in_dim3A_5 {strides = array<i32>} : memref<512x128xf32, #tpu.memory_space<vmem>>, vector<16xf32>,
      %parallel_loop3A_338 = arith.constant 7 : i32
      %parallel_loop3A_339 = arith.addi %parallel_loop3A_27, %parallel_loop3A_338 : i32
      %parallel_loop3A_340 = arith.index_cast %parallel_loop3A_339 : i32 to index
      %parallel_loop3A_341 = arith.constant 96 : index
      %parallel_loop3A_342 = tpu.vector_load %arg6[%parallel_loop3A_340, %parallel_loop3A_341] {strides = array<i32>} : memref<512x128xf32, #tpu.memory_space<vmem>>, vector<16xf32>,
      tpu.vector_store %arg6[%parallel_loop3A_340, %parallel_loop3A_341], %broadcast_in_dim3A_5 {strides = array<i32>} : memref<512x128xf32, #tpu.memory_space<vmem>>, vector<16xf32>,
      %parallel_loop3A_343 = arith.constant 7 : i32
      %parallel_loop3A_344 = arith.addi %parallel_loop3A_27, %parallel_loop3A_343 : i32
      %parallel_loop3A_345 = arith.index_cast %parallel_loop3A_344 : i32 to index
      %parallel_loop3A_346 = arith.constant 112 : index
      %parallel_loop3A_347 = tpu.vector_load %arg6[%parallel_loop3A_345, %parallel_loop3A_346] {strides = array<i32>} : memref<512x128xf32, #tpu.memory_space<vmem>>, vector<16xf32>,
      tpu.vector_store %arg6[%parallel_loop3A_345, %parallel_loop3A_346], %broadcast_in_dim3A_5 {strides = array<i32>} : memref<512x128xf32, #tpu.memory_space<vmem>>, vector<16xf32>,
      %parallel_loop3A_348 = arith.constant 8 : i32
      %parallel_loop3A_349 = arith.addi %parallel_loop3A_27, %parallel_loop3A_348 : i32
      %parallel_loop3A_350 = arith.index_cast %parallel_loop3A_349 : i32 to index
      %parallel_loop3A_351 = arith.constant 0 : index
      %parallel_loop3A_352 = tpu.vector_load %arg6[%parallel_loop3A_350, %parallel_loop3A_351] {strides = array<i32>} : memref<512x128xf32, #tpu.memory_space<vmem>>, vector<16xf32>,
      tpu.vector_store %arg6[%parallel_loop3A_350, %parallel_loop3A_351], %broadcast_in_dim3A_5 {strides = array<i32>} : memref<512x128xf32, #tpu.memory_space<vmem>>, vector<16xf32>,
      %parallel_loop3A_353 = arith.constant 8 : i32
      %parallel_loop3A_354 = arith.addi %parallel_loop3A_27, %parallel_loop3A_353 : i32
      %parallel_loop3A_355 = arith.index_cast %parallel_loop3A_354 : i32 to index
      %parallel_loop3A_356 = arith.constant 16 : index
      %parallel_loop3A_357 = tpu.vector_load %arg6[%parallel_loop3A_355, %parallel_loop3A_356] {strides = array<i32>} : memref<512x128xf32, #tpu.memory_space<vmem>>, vector<16xf32>,
      tpu.vector_store %arg6[%parallel_loop3A_355, %parallel_loop3A_356], %broadcast_in_dim3A_5 {strides = array<i32>} : memref<512x128xf32, #tpu.memory_space<vmem>>, vector<16xf32>,
      %parallel_loop3A_358 = arith.constant 8 : i32
      %parallel_loop3A_359 = arith.addi %parallel_loop3A_27, %parallel_loop3A_358 : i32
      %parallel_loop3A_360 = arith.index_cast %parallel_loop3A_359 : i32 to index
      %parallel_loop3A_361 = arith.constant 32 : index
      %parallel_loop3A_362 = tpu.vector_load %arg6[%parallel_loop3A_360, %parallel_loop3A_361] {strides = array<i32>} : memref<512x128xf32, #tpu.memory_space<vmem>>, vector<16xf32>,
      tpu.vector_store %arg6[%parallel_loop3A_360, %parallel_loop3A_361], %broadcast_in_dim3A_5 {strides = array<i32>} : memref<512x128xf32, #tpu.memory_space<vmem>>, vector<16xf32>,
      %parallel_loop3A_363 = arith.constant 8 : i32
      %parallel_loop3A_364 = arith.addi %parallel_loop3A_27, %parallel_loop3A_363 : i32
      %parallel_loop3A_365 = arith.index_cast %parallel_loop3A_364 : i32 to index
      %parallel_loop3A_366 = arith.constant 48 : index
      %parallel_loop3A_367 = tpu.vector_load %arg6[%parallel_loop3A_365, %parallel_loop3A_366] {strides = array<i32>} : memref<512x128xf32, #tpu.memory_space<vmem>>, vector<16xf32>,
      tpu.vector_store %arg6[%parallel_loop3A_365, %parallel_loop3A_366], %broadcast_in_dim3A_5 {strides = array<i32>} : memref<512x128xf32, #tpu.memory_space<vmem>>, vector<16xf32>,
      %parallel_loop3A_368 = arith.constant 8 : i32
      %parallel_loop3A_369 = arith.addi %parallel_loop3A_27, %parallel_loop3A_368 : i32
      %parallel_loop3A_370 = arith.index_cast %parallel_loop3A_369 : i32 to index
      %parallel_loop3A_371 = arith.constant 64 : index
      %parallel_loop3A_372 = tpu.vector_load %arg6[%parallel_loop3A_370, %parallel_loop3A_371] {strides = array<i32>} : memref<512x128xf32, #tpu.memory_space<vmem>>, vector<16xf32>,
      tpu.vector_store %arg6[%parallel_loop3A_370, %parallel_loop3A_371], %broadcast_in_dim3A_5 {strides = array<i32>} : memref<512x128xf32, #tpu.memory_space<vmem>>, vector<16xf32>,
      %parallel_loop3A_373 = arith.constant 8 : i32
      %parallel_loop3A_374 = arith.addi %parallel_loop3A_27, %parallel_loop3A_373 : i32
      %parallel_loop3A_375 = arith.index_cast %parallel_loop3A_374 : i32 to index
      %parallel_loop3A_376 = arith.constant 80 : index
      %parallel_loop3A_377 = tpu.vector_load %arg6[%parallel_loop3A_375, %parallel_loop3A_376] {strides = array<i32>} : memref<512x128xf32, #tpu.memory_space<vmem>>, vector<16xf32>,
      tpu.vector_store %arg6[%parallel_loop3A_375, %parallel_loop3A_376], %broadcast_in_dim3A_5 {strides = array<i32>} : memref<512x128xf32, #tpu.memory_space<vmem>>, vector<16xf32>,
      %parallel_loop3A_378 = arith.constant 8 : i32
      %parallel_loop3A_379 = arith.addi %parallel_loop3A_27, %parallel_loop3A_378 : i32
      %parallel_loop3A_380 = arith.index_cast %parallel_loop3A_379 : i32 to index
      %parallel_loop3A_381 = arith.constant 96 : index
      %parallel_loop3A_382 = tpu.vector_load %arg6[%parallel_loop3A_380, %parallel_loop3A_381] {strides = array<i32>} : memref<512x128xf32, #tpu.memory_space<vmem>>, vector<16xf32>,
      tpu.vector_store %arg6[%parallel_loop3A_380, %parallel_loop3A_381], %broadcast_in_dim3A_5 {strides = array<i32>} : memref<512x128xf32, #tpu.memory_space<vmem>>, vector<16xf32>,
      %parallel_loop3A_383 = arith.constant 8 : i32
      %parallel_loop3A_384 = arith.addi %parallel_loop3A_27, %parallel_loop3A_383 : i32
      %parallel_loop3A_385 = arith.index_cast %parallel_loop3A_384 : i32 to index
      %parallel_loop3A_386 = arith.constant 112 : index
      %parallel_loop3A_387 = tpu.vector_load %arg6[%parallel_loop3A_385, %parallel_loop3A_386] {strides = array<i32>} : memref<512x128xf32, #tpu.memory_space<vmem>>, vector<16xf32>,
      tpu.vector_store %arg6[%parallel_loop3A_385, %parallel_loop3A_386], %broadcast_in_dim3A_5 {strides = array<i32>} : memref<512x128xf32, #tpu.memory_space<vmem>>, vector<16xf32>,
      %parallel_loop3A_388 = arith.constant 9 : i32
      %parallel_loop3A_389 = arith.addi %parallel_loop3A_27, %parallel_loop3A_388 : i32
      %parallel_loop3A_390 = arith.index_cast %parallel_loop3A_389 : i32 to index
      %parallel_loop3A_391 = arith.constant 0 : index
      %parallel_loop3A_392 = tpu.vector_load %arg6[%parallel_loop3A_390, %parallel_loop3A_391] {strides = array<i32>} : memref<512x128xf32, #tpu.memory_space<vmem>>, vector<16xf32>,
      tpu.vector_store %arg6[%parallel_loop3A_390, %parallel_loop3A_391], %broadcast_in_dim3A_5 {strides = array<i32>} : memref<512x128xf32, #tpu.memory_space<vmem>>, vector<16xf32>,
      %parallel_loop3A_393 = arith.constant 9 : i32
      %parallel_loop3A_394 = arith.addi %parallel_loop3A_27, %parallel_loop3A_393 : i32
      %parallel_loop3A_395 = arith.index_cast %parallel_loop3A_394 : i32 to index
      %parallel_loop3A_396 = arith.constant 16 : index
      %parallel_loop3A_397 = tpu.vector_load %arg6[%parallel_loop3A_395, %parallel_loop3A_396] {strides = array<i32>} : memref<512x128xf32, #tpu.memory_space<vmem>>, vector<16xf32>,
      tpu.vector_store %arg6[%parallel_loop3A_395, %parallel_loop3A_396], %broadcast_in_dim3A_5 {strides = array<i32>} : memref<512x128xf32, #tpu.memory_space<vmem>>, vector<16xf32>,
      %parallel_loop3A_398 = arith.constant 9 : i32
      %parallel_loop3A_399 = arith.addi %parallel_loop3A_27, %parallel_loop3A_398 : i32
      %parallel_loop3A_400 = arith.index_cast %parallel_loop3A_399 : i32 to index
      %parallel_loop3A_401 = arith.constant 32 : index
      %parallel_loop3A_402 = tpu.vector_load %arg6[%parallel_loop3A_400, %parallel_loop3A_401] {strides = array<i32>} : memref<512x128xf32, #tpu.memory_space<vmem>>, vector<16xf32>,
      tpu.vector_store %arg6[%parallel_loop3A_400, %parallel_loop3A_401], %broadcast_in_dim3A_5 {strides = array<i32>} : memref<512x128xf32, #tpu.memory_space<vmem>>, vector<16xf32>,
      %parallel_loop3A_403 = arith.constant 9 : i32
      %parallel_loop3A_404 = arith.addi %parallel_loop3A_27, %parallel_loop3A_403 : i32
      %parallel_loop3A_405 = arith.index_cast %parallel_loop3A_404 : i32 to index
      %parallel_loop3A_406 = arith.constant 48 : index
      %parallel_loop3A_407 = tpu.vector_load %arg6[%parallel_loop3A_405, %parallel_loop3A_406] {strides = array<i32>} : memref<512x128xf32, #tpu.memory_space<vmem>>, vector<16xf32>,
      tpu.vector_store %arg6[%parallel_loop3A_405, %parallel_loop3A_406], %broadcast_in_dim3A_5 {strides = array<i32>} : memref<512x128xf32, #tpu.memory_space<vmem>>, vector<16xf32>,
      %parallel_loop3A_408 = arith.constant 9 : i32
      %parallel_loop3A_409 = arith.addi %parallel_loop3A_27, %parallel_loop3A_408 : i32
      %parallel_loop3A_410 = arith.index_cast %parallel_loop3A_409 : i32 to index
      %parallel_loop3A_411 = arith.constant 64 : index
      %parallel_loop3A_412 = tpu.vector_load %arg6[%parallel_loop3A_410, %parallel_loop3A_411] {strides = array<i32>} : memref<512x128xf32, #tpu.memory_space<vmem>>, vector<16xf32>,
      tpu.vector_store %arg6[%parallel_loop3A_410, %parallel_loop3A_411], %broadcast_in_dim3A_5 {strides = array<i32>} : memref<512x128xf32, #tpu.memory_space<vmem>>, vector<16xf32>,
      %parallel_loop3A_413 = arith.constant 9 : i32
      %parallel_loop3A_414 = arith.addi %parallel_loop3A_27, %parallel_loop3A_413 : i32
      %parallel_loop3A_415 = arith.index_cast %parallel_loop3A_414 : i32 to index
      %parallel_loop3A_416 = arith.constant 80 : index
      %parallel_loop3A_417 = tpu.vector_load %arg6[%parallel_loop3A_415, %parallel_loop3A_416] {strides = array<i32>} : memref<512x128xf32, #tpu.memory_space<vmem>>, vector<16xf32>,
      tpu.vector_store %arg6[%parallel_loop3A_415, %parallel_loop3A_416], %broadcast_in_dim3A_5 {strides = array<i32>} : memref<512x128xf32, #tpu.memory_space<vmem>>, vector<16xf32>,
      %parallel_loop3A_418 = arith.constant 9 : i32
      %parallel_loop3A_419 = arith.addi %parallel_loop3A_27, %parallel_loop3A_418 : i32
      %parallel_loop3A_420 = arith.index_cast %parallel_loop3A_419 : i32 to index
      %parallel_loop3A_421 = arith.constant 96 : index
      %parallel_loop3A_422 = tpu.vector_load %arg6[%parallel_loop3A_420, %parallel_loop3A_421] {strides = array<i32>} : memref<512x128xf32, #tpu.memory_space<vmem>>, vector<16xf32>,
      tpu.vector_store %arg6[%parallel_loop3A_420, %parallel_loop3A_421], %broadcast_in_dim3A_5 {strides = array<i32>} : memref<512x128xf32, #tpu.memory_space<vmem>>, vector<16xf32>,
      %parallel_loop3A_423 = arith.constant 9 : i32
      %parallel_loop3A_424 = arith.addi %parallel_loop3A_27, %parallel_loop3A_423 : i32
      %parallel_loop3A_425 = arith.index_cast %parallel_loop3A_424 : i32 to index
      %parallel_loop3A_426 = arith.constant 112 : index
      %parallel_loop3A_427 = tpu.vector_load %arg6[%parallel_loop3A_425, %parallel_loop3A_426] {strides = array<i32>} : memref<512x128xf32, #tpu.memory_space<vmem>>, vector<16xf32>,
      tpu.vector_store %arg6[%parallel_loop3A_425, %parallel_loop3A_426], %broadcast_in_dim3A_5 {strides = array<i32>} : memref<512x128xf32, #tpu.memory_space<vmem>>, vector<16xf32>,
      %parallel_loop3A_428 = arith.constant 10 : i32
      %parallel_loop3A_429 = arith.addi %parallel_loop3A_27, %parallel_loop3A_428 : i32
      %parallel_loop3A_430 = arith.index_cast %parallel_loop3A_429 : i32 to index
      %parallel_loop3A_431 = arith.constant 0 : index
      %parallel_loop3A_432 = tpu.vector_load %arg6[%parallel_loop3A_430, %parallel_loop3A_431] {strides = array<i32>} : memref<512x128xf32, #tpu.memory_space<vmem>>, vector<16xf32>,
      tpu.vector_store %arg6[%parallel_loop3A_430, %parallel_loop3A_431], %broadcast_in_dim3A_5 {strides = array<i32>} : memref<512x128xf32, #tpu.memory_space<vmem>>, vector<16xf32>,
      %parallel_loop3A_433 = arith.constant 10 : i32
      %parallel_loop3A_434 = arith.addi %parallel_loop3A_27, %parallel_loop3A_433 : i32
      %parallel_loop3A_435 = arith.index_cast %parallel_loop3A_434 : i32 to index
      %parallel_loop3A_436 = arith.constant 16 : index
      %parallel_loop3A_437 = tpu.vector_load %arg6[%parallel_loop3A_435, %parallel_loop3A_436] {strides = array<i32>} : memref<512x128xf32, #tpu.memory_space<vmem>>, vector<16xf32>,
      tpu.vector_store %arg6[%parallel_loop3A_435, %parallel_loop3A_436], %broadcast_in_dim3A_5 {strides = array<i32>} : memref<512x128xf32, #tpu.memory_space<vmem>>, vector<16xf32>,
      %parallel_loop3A_438 = arith.constant 10 : i32
      %parallel_loop3A_439 = arith.addi %parallel_loop3A_27, %parallel_loop3A_438 : i32
      %parallel_loop3A_440 = arith.index_cast %parallel_loop3A_439 : i32 to index
      %parallel_loop3A_441 = arith.constant 32 : index
      %parallel_loop3A_442 = tpu.vector_load %arg6[%parallel_loop3A_440, %parallel_loop3A_441] {strides = array<i32>} : memref<512x128xf32, #tpu.memory_space<vmem>>, vector<16xf32>,
      tpu.vector_store %arg6[%parallel_loop3A_440, %parallel_loop3A_441], %broadcast_in_dim3A_5 {strides = array<i32>} : memref<512x128xf32, #tpu.memory_space<vmem>>, vector<16xf32>,
      %parallel_loop3A_443 = arith.constant 10 : i32
      %parallel_loop3A_444 = arith.addi %parallel_loop3A_27, %parallel_loop3A_443 : i32
      %parallel_loop3A_445 = arith.index_cast %parallel_loop3A_444 : i32 to index
      %parallel_loop3A_446 = arith.constant 48 : index
      %parallel_loop3A_447 = tpu.vector_load %arg6[%parallel_loop3A_445, %parallel_loop3A_446] {strides = array<i32>} : memref<512x128xf32, #tpu.memory_space<vmem>>, vector<16xf32>,
      tpu.vector_store %arg6[%parallel_loop3A_445, %parallel_loop3A_446], %broadcast_in_dim3A_5 {strides = array<i32>} : memref<512x128xf32, #tpu.memory_space<vmem>>, vector<16xf32>,
      %parallel_loop3A_448 = arith.constant 10 : i32
      %parallel_loop3A_449 = arith.addi %parallel_loop3A_27, %parallel_loop3A_448 : i32
      %parallel_loop3A_450 = arith.index_cast %parallel_loop3A_449 : i32 to index
      %parallel_loop3A_451 = arith.constant 64 : index
      %parallel_loop3A_452 = tpu.vector_load %arg6[%parallel_loop3A_450, %parallel_loop3A_451] {strides = array<i32>} : memref<512x128xf32, #tpu.memory_space<vmem>>, vector<16xf32>,
      tpu.vector_store %arg6[%parallel_loop3A_450, %parallel_loop3A_451], %broadcast_in_dim3A_5 {strides = array<i32>} : memref<512x128xf32, #tpu.memory_space<vmem>>, vector<16xf32>,
      %parallel_loop3A_453 = arith.constant 10 : i32
      %parallel_loop3A_454 = arith.addi %parallel_loop3A_27, %parallel_loop3A_453 : i32
      %parallel_loop3A_455 = arith.index_cast %parallel_loop3A_454 : i32 to index
      %parallel_loop3A_456 = arith.constant 80 : index
      %parallel_loop3A_457 = tpu.vector_load %arg6[%parallel_loop3A_455, %parallel_loop3A_456] {strides = array<i32>} : memref<512x128xf32, #tpu.memory_space<vmem>>, vector<16xf32>,
      tpu.vector_store %arg6[%parallel_loop3A_455, %parallel_loop3A_456], %broadcast_in_dim3A_5 {strides = array<i32>} : memref<512x128xf32, #tpu.memory_space<vmem>>, vector<16xf32>,
      %parallel_loop3A_458 = arith.constant 10 : i32
      %parallel_loop3A_459 = arith.addi %parallel_loop3A_27, %parallel_loop3A_458 : i32
      %parallel_loop3A_460 = arith.index_cast %parallel_loop3A_459 : i32 to index
      %parallel_loop3A_461 = arith.constant 96 : index
      %parallel_loop3A_462 = tpu.vector_load %arg6[%parallel_loop3A_460, %parallel_loop3A_461] {strides = array<i32>} : memref<512x128xf32, #tpu.memory_space<vmem>>, vector<16xf32>,
      tpu.vector_store %arg6[%parallel_loop3A_460, %parallel_loop3A_461], %broadcast_in_dim3A_5 {strides = array<i32>} : memref<512x128xf32, #tpu.memory_space<vmem>>, vector<16xf32>,
      %parallel_loop3A_463 = arith.constant 10 : i32
      %parallel_loop3A_464 = arith.addi %parallel_loop3A_27, %parallel_loop3A_463 : i32
      %parallel_loop3A_465 = arith.index_cast %parallel_loop3A_464 : i32 to index
      %parallel_loop3A_466 = arith.constant 112 : index
      %parallel_loop3A_467 = tpu.vector_load %arg6[%parallel_loop3A_465, %parallel_loop3A_466] {strides = array<i32>} : memref<512x128xf32, #tpu.memory_space<vmem>>, vector<16xf32>,
      tpu.vector_store %arg6[%parallel_loop3A_465, %parallel_loop3A_466], %broadcast_in_dim3A_5 {strides = array<i32>} : memref<512x128xf32, #tpu.memory_space<vmem>>, vector<16xf32>,
      %parallel_loop3A_468 = arith.constant 11 : i32
      %parallel_loop3A_469 = arith.addi %parallel_loop3A_27, %parallel_loop3A_468 : i32
      %parallel_loop3A_470 = arith.index_cast %parallel_loop3A_469 : i32 to index
      %parallel_loop3A_471 = arith.constant 0 : index
      %parallel_loop3A_472 = tpu.vector_load %arg6[%parallel_loop3A_470, %parallel_loop3A_471] {strides = array<i32>} : memref<512x128xf32, #tpu.memory_space<vmem>>, vector<16xf32>,
      tpu.vector_store %arg6[%parallel_loop3A_470, %parallel_loop3A_471], %broadcast_in_dim3A_5 {strides = array<i32>} : memref<512x128xf32, #tpu.memory_space<vmem>>, vector<16xf32>,
      %parallel_loop3A_473 = arith.constant 11 : i32
      %parallel_loop3A_474 = arith.addi %parallel_loop3A_27, %parallel_loop3A_473 : i32
      %parallel_loop3A_475 = arith.index_cast %parallel_loop3A_474 : i32 to index
      %parallel_loop3A_476 = arith.constant 16 : index
      %parallel_loop3A_477 = tpu.vector_load %arg6[%parallel_loop3A_475, %parallel_loop3A_476] {strides = array<i32>} : memref<512x128xf32, #tpu.memory_space<vmem>>, vector<16xf32>,
      tpu.vector_store %arg6[%parallel_loop3A_475, %parallel_loop3A_476], %broadcast_in_dim3A_5 {strides = array<i32>} : memref<512x128xf32, #tpu.memory_space<vmem>>, vector<16xf32>,
      %parallel_loop3A_478 = arith.constant 11 : i32
      %parallel_loop3A_479 = arith.addi %parallel_loop3A_27, %parallel_loop3A_478 : i32
      %parallel_loop3A_480 = arith.index_cast %parallel_loop3A_479 : i32 to index
      %parallel_loop3A_481 = arith.constant 32 : index
      %parallel_loop3A_482 = tpu.vector_load %arg6[%parallel_loop3A_480, %parallel_loop3A_481] {strides = array<i32>} : memref<512x128xf32, #tpu.memory_space<vmem>>, vector<16xf32>,
      tpu.vector_store %arg6[%parallel_loop3A_480, %parallel_loop3A_481], %broadcast_in_dim3A_5 {strides = array<i32>} : memref<512x128xf32, #tpu.memory_space<vmem>>, vector<16xf32>,
      %parallel_loop3A_483 = arith.constant 11 : i32
      %parallel_loop3A_484 = arith.addi %parallel_loop3A_27, %parallel_loop3A_483 : i32
      %parallel_loop3A_485 = arith.index_cast %parallel_loop3A_484 : i32 to index
      %parallel_loop3A_486 = arith.constant 48 : index
      %parallel_loop3A_487 = tpu.vector_load %arg6[%parallel_loop3A_485, %parallel_loop3A_486] {strides = array<i32>} : memref<512x128xf32, #tpu.memory_space<vmem>>, vector<16xf32>,
      tpu.vector_store %arg6[%parallel_loop3A_485, %parallel_loop3A_486], %broadcast_in_dim3A_5 {strides = array<i32>} : memref<512x128xf32, #tpu.memory_space<vmem>>, vector<16xf32>,
      %parallel_loop3A_488 = arith.constant 11 : i32
      %parallel_loop3A_489 = arith.addi %parallel_loop3A_27, %parallel_loop3A_488 : i32
      %parallel_loop3A_490 = arith.index_cast %parallel_loop3A_489 : i32 to index
      %parallel_loop3A_491 = arith.constant 64 : index
      %parallel_loop3A_492 = tpu.vector_load %arg6[%parallel_loop3A_490, %parallel_loop3A_491] {strides = array<i32>} : memref<512x128xf32, #tpu.memory_space<vmem>>, vector<16xf32>,
      tpu.vector_store %arg6[%parallel_loop3A_490, %parallel_loop3A_491], %broadcast_in_dim3A_5 {strides = array<i32>} : memref<512x128xf32, #tpu.memory_space<vmem>>, vector<16xf32>,
      %parallel_loop3A_493 = arith.constant 11 : i32
      %parallel_loop3A_494 = arith.addi %parallel_loop3A_27, %parallel_loop3A_493 : i32
      %parallel_loop3A_495 = arith.index_cast %parallel_loop3A_494 : i32 to index
      %parallel_loop3A_496 = arith.constant 80 : index
      %parallel_loop3A_497 = tpu.vector_load %arg6[%parallel_loop3A_495, %parallel_loop3A_496] {strides = array<i32>} : memref<512x128xf32, #tpu.memory_space<vmem>>, vector<16xf32>,
      tpu.vector_store %arg6[%parallel_loop3A_495, %parallel_loop3A_496], %broadcast_in_dim3A_5 {strides = array<i32>} : memref<512x128xf32, #tpu.memory_space<vmem>>, vector<16xf32>,
      %parallel_loop3A_498 = arith.constant 11 : i32
      %parallel_loop3A_499 = arith.addi %parallel_loop3A_27, %parallel_loop3A_498 : i32
      %parallel_loop3A_500 = arith.index_cast %parallel_loop3A_499 : i32 to index
      %parallel_loop3A_501 = arith.constant 96 : index
      %parallel_loop3A_502 = tpu.vector_load %arg6[%parallel_loop3A_500, %parallel_loop3A_501] {strides = array<i32>} : memref<512x128xf32, #tpu.memory_space<vmem>>, vector<16xf32>,
      tpu.vector_store %arg6[%parallel_loop3A_500, %parallel_loop3A_501], %broadcast_in_dim3A_5 {strides = array<i32>} : memref<512x128xf32, #tpu.memory_space<vmem>>, vector<16xf32>,
      %parallel_loop3A_503 = arith.constant 11 : i32
      %parallel_loop3A_504 = arith.addi %parallel_loop3A_27, %parallel_loop3A_503 : i32
      %parallel_loop3A_505 = arith.index_cast %parallel_loop3A_504 : i32 to index
      %parallel_loop3A_506 = arith.constant 112 : index
      %parallel_loop3A_507 = tpu.vector_load %arg6[%parallel_loop3A_505, %parallel_loop3A_506] {strides = array<i32>} : memref<512x128xf32, #tpu.memory_space<vmem>>, vector<16xf32>,
      tpu.vector_store %arg6[%parallel_loop3A_505, %parallel_loop3A_506], %broadcast_in_dim3A_5 {strides = array<i32>} : memref<512x128xf32, #tpu.memory_space<vmem>>, vector<16xf32>,
      %parallel_loop3A_508 = arith.constant 12 : i32
      %parallel_loop3A_509 = arith.addi %parallel_loop3A_27, %parallel_loop3A_508 : i32
      %parallel_loop3A_510 = arith.index_cast %parallel_loop3A_509 : i32 to index
      %parallel_loop3A_511 = arith.constant 0 : index
      %parallel_loop3A_512 = tpu.vector_load %arg6[%parallel_loop3A_510, %parallel_loop3A_511] {strides = array<i32>} : memref<512x128xf32, #tpu.memory_space<vmem>>, vector<16xf32>,
      tpu.vector_store %arg6[%parallel_loop3A_510, %parallel_loop3A_511], %broadcast_in_dim3A_5 {strides = array<i32>} : memref<512x128xf32, #tpu.memory_space<vmem>>, vector<16xf32>,
      %parallel_loop3A_513 = arith.constant 12 : i32
      %parallel_loop3A_514 = arith.addi %parallel_loop3A_27, %parallel_loop3A_513 : i32
      %parallel_loop3A_515 = arith.index_cast %parallel_loop3A_514 : i32 to index
      %parallel_loop3A_516 = arith.constant 16 : index
      %parallel_loop3A_517 = tpu.vector_load %arg6[%parallel_loop3A_515, %parallel_loop3A_516] {strides = array<i32>} : memref<512x128xf32, #tpu.memory_space<vmem>>, vector<16xf32>,
      tpu.vector_store %arg6[%parallel_loop3A_515, %parallel_loop3A_516], %broadcast_in_dim3A_5 {strides = array<i32>} : memref<512x128xf32, #tpu.memory_space<vmem>>, vector<16xf32>,
      %parallel_loop3A_518 = arith.constant 12 : i32
      %parallel_loop3A_519 = arith.addi %parallel_loop3A_27, %parallel_loop3A_518 : i32
      %parallel_loop3A_520 = arith.index_cast %parallel_loop3A_519 : i32 to index
      %parallel_loop3A_521 = arith.constant 32 : index
      %parallel_loop3A_522 = tpu.vector_load %arg6[%parallel_loop3A_520, %parallel_loop3A_521] {strides = array<i32>} : memref<512x128xf32, #tpu.memory_space<vmem>>, vector<16xf32>,
      tpu.vector_store %arg6[%parallel_loop3A_520, %parallel_loop3A_521], %broadcast_in_dim3A_5 {strides = array<i32>} : memref<512x128xf32, #tpu.memory_space<vmem>>, vector<16xf32>,
      %parallel_loop3A_523 = arith.constant 12 : i32
      %parallel_loop3A_524 = arith.addi %parallel_loop3A_27, %parallel_loop3A_523 : i32
      %parallel_loop3A_525 = arith.index_cast %parallel_loop3A_524 : i32 to index
      %parallel_loop3A_526 = arith.constant 48 : index
      %parallel_loop3A_527 = tpu.vector_load %arg6[%parallel_loop3A_525, %parallel_loop3A_526] {strides = array<i32>} : memref<512x128xf32, #tpu.memory_space<vmem>>, vector<16xf32>,
      tpu.vector_store %arg6[%parallel_loop3A_525, %parallel_loop3A_526], %broadcast_in_dim3A_5 {strides = array<i32>} : memref<512x128xf32, #tpu.memory_space<vmem>>, vector<16xf32>,
      %parallel_loop3A_528 = arith.constant 12 : i32
      %parallel_loop3A_529 = arith.addi %parallel_loop3A_27, %parallel_loop3A_528 : i32
      %parallel_loop3A_530 = arith.index_cast %parallel_loop3A_529 : i32 to index
      %parallel_loop3A_531 = arith.constant 64 : index
      %parallel_loop3A_532 = tpu.vector_load %arg6[%parallel_loop3A_530, %parallel_loop3A_531] {strides = array<i32>} : memref<512x128xf32, #tpu.memory_space<vmem>>, vector<16xf32>,
      tpu.vector_store %arg6[%parallel_loop3A_530, %parallel_loop3A_531], %broadcast_in_dim3A_5 {strides = array<i32>} : memref<512x128xf32, #tpu.memory_space<vmem>>, vector<16xf32>,
      %parallel_loop3A_533 = arith.constant 12 : i32
      %parallel_loop3A_534 = arith.addi %parallel_loop3A_27, %parallel_loop3A_533 : i32
      %parallel_loop3A_535 = arith.index_cast %parallel_loop3A_534 : i32 to index
      %parallel_loop3A_536 = arith.constant 80 : index
      %parallel_loop3A_537 = tpu.vector_load %arg6[%parallel_loop3A_535, %parallel_loop3A_536] {strides = array<i32>} : memref<512x128xf32, #tpu.memory_space<vmem>>, vector<16xf32>,
      tpu.vector_store %arg6[%parallel_loop3A_535, %parallel_loop3A_536], %broadcast_in_dim3A_5 {strides = array<i32>} : memref<512x128xf32, #tpu.memory_space<vmem>>, vector<16xf32>,
      %parallel_loop3A_538 = arith.constant 12 : i32
      %parallel_loop3A_539 = arith.addi %parallel_loop3A_27, %parallel_loop3A_538 : i32
      %parallel_loop3A_540 = arith.index_cast %parallel_loop3A_539 : i32 to index
      %parallel_loop3A_541 = arith.constant 96 : index
      %parallel_loop3A_542 = tpu.vector_load %arg6[%parallel_loop3A_540, %parallel_loop3A_541] {strides = array<i32>} : memref<512x128xf32, #tpu.memory_space<vmem>>, vector<16xf32>,
      tpu.vector_store %arg6[%parallel_loop3A_540, %parallel_loop3A_541], %broadcast_in_dim3A_5 {strides = array<i32>} : memref<512x128xf32, #tpu.memory_space<vmem>>, vector<16xf32>,
      %parallel_loop3A_543 = arith.constant 12 : i32
      %parallel_loop3A_544 = arith.addi %parallel_loop3A_27, %parallel_loop3A_543 : i32
      %parallel_loop3A_545 = arith.index_cast %parallel_loop3A_544 : i32 to index
      %parallel_loop3A_546 = arith.constant 112 : index
      %parallel_loop3A_547 = tpu.vector_load %arg6[%parallel_loop3A_545, %parallel_loop3A_546] {strides = array<i32>} : memref<512x128xf32, #tpu.memory_space<vmem>>, vector<16xf32>,
      tpu.vector_store %arg6[%parallel_loop3A_545, %parallel_loop3A_546], %broadcast_in_dim3A_5 {strides = array<i32>} : memref<512x128xf32, #tpu.memory_space<vmem>>, vector<16xf32>,
      %parallel_loop3A_548 = arith.constant 13 : i32
      %parallel_loop3A_549 = arith.addi %parallel_loop3A_27, %parallel_loop3A_548 : i32
      %parallel_loop3A_550 = arith.index_cast %parallel_loop3A_549 : i32 to index
      %parallel_loop3A_551 = arith.constant 0 : index
      %parallel_loop3A_552 = tpu.vector_load %arg6[%parallel_loop3A_550, %parallel_loop3A_551] {strides = array<i32>} : memref<512x128xf32, #tpu.memory_space<vmem>>, vector<16xf32>,
      tpu.vector_store %arg6[%parallel_loop3A_550, %parallel_loop3A_551], %broadcast_in_dim3A_5 {strides = array<i32>} : memref<512x128xf32, #tpu.memory_space<vmem>>, vector<16xf32>,
      %parallel_loop3A_553 = arith.constant 13 : i32
      %parallel_loop3A_554 = arith.addi %parallel_loop3A_27, %parallel_loop3A_553 : i32
      %parallel_loop3A_555 = arith.index_cast %parallel_loop3A_554 : i32 to index
      %parallel_loop3A_556 = arith.constant 16 : index
      %parallel_loop3A_557 = tpu.vector_load %arg6[%parallel_loop3A_555, %parallel_loop3A_556] {strides = array<i32>} : memref<512x128xf32, #tpu.memory_space<vmem>>, vector<16xf32>,
      tpu.vector_store %arg6[%parallel_loop3A_555, %parallel_loop3A_556], %broadcast_in_dim3A_5 {strides = array<i32>} : memref<512x128xf32, #tpu.memory_space<vmem>>, vector<16xf32>,
      %parallel_loop3A_558 = arith.constant 13 : i32
      %parallel_loop3A_559 = arith.addi %parallel_loop3A_27, %parallel_loop3A_558 : i32
      %parallel_loop3A_560 = arith.index_cast %parallel_loop3A_559 : i32 to index
      %parallel_loop3A_561 = arith.constant 32 : index
      %parallel_loop3A_562 = tpu.vector_load %arg6[%parallel_loop3A_560, %parallel_loop3A_561] {strides = array<i32>} : memref<512x128xf32, #tpu.memory_space<vmem>>, vector<16xf32>,
      tpu.vector_store %arg6[%parallel_loop3A_560, %parallel_loop3A_561], %broadcast_in_dim3A_5 {strides = array<i32>} : memref<512x128xf32, #tpu.memory_space<vmem>>, vector<16xf32>,
      %parallel_loop3A_563 = arith.constant 13 : i32
      %parallel_loop3A_564 = arith.addi %parallel_loop3A_27, %parallel_loop3A_563 : i32
      %parallel_loop3A_565 = arith.index_cast %parallel_loop3A_564 : i32 to index
      %parallel_loop3A_566 = arith.constant 48 : index
      %parallel_loop3A_567 = tpu.vector_load %arg6[%parallel_loop3A_565, %parallel_loop3A_566] {strides = array<i32>} : memref<512x128xf32, #tpu.memory_space<vmem>>, vector<16xf32>,
      tpu.vector_store %arg6[%parallel_loop3A_565, %parallel_loop3A_566], %broadcast_in_dim3A_5 {strides = array<i32>} : memref<512x128xf32, #tpu.memory_space<vmem>>, vector<16xf32>,
      %parallel_loop3A_568 = arith.constant 13 : i32
      %parallel_loop3A_569 = arith.addi %parallel_loop3A_27, %parallel_loop3A_568 : i32
      %parallel_loop3A_570 = arith.index_cast %parallel_loop3A_569 : i32 to index
      %parallel_loop3A_571 = arith.constant 64 : index
      %parallel_loop3A_572 = tpu.vector_load %arg6[%parallel_loop3A_570, %parallel_loop3A_571] {strides = array<i32>} : memref<512x128xf32, #tpu.memory_space<vmem>>, vector<16xf32>,
      tpu.vector_store %arg6[%parallel_loop3A_570, %parallel_loop3A_571], %broadcast_in_dim3A_5 {strides = array<i32>} : memref<512x128xf32, #tpu.memory_space<vmem>>, vector<16xf32>,
      %parallel_loop3A_573 = arith.constant 13 : i32
      %parallel_loop3A_574 = arith.addi %parallel_loop3A_27, %parallel_loop3A_573 : i32
      %parallel_loop3A_575 = arith.index_cast %parallel_loop3A_574 : i32 to index
      %parallel_loop3A_576 = arith.constant 80 : index
      %parallel_loop3A_577 = tpu.vector_load %arg6[%parallel_loop3A_575, %parallel_loop3A_576] {strides = array<i32>} : memref<512x128xf32, #tpu.memory_space<vmem>>, vector<16xf32>,
      tpu.vector_store %arg6[%parallel_loop3A_575, %parallel_loop3A_576], %broadcast_in_dim3A_5 {strides = array<i32>} : memref<512x128xf32, #tpu.memory_space<vmem>>, vector<16xf32>,
      %parallel_loop3A_578 = arith.constant 13 : i32
      %parallel_loop3A_579 = arith.addi %parallel_loop3A_27, %parallel_loop3A_578 : i32
      %parallel_loop3A_580 = arith.index_cast %parallel_loop3A_579 : i32 to index
      %parallel_loop3A_581 = arith.constant 96 : index
      %parallel_loop3A_582 = tpu.vector_load %arg6[%parallel_loop3A_580, %parallel_loop3A_581] {strides = array<i32>} : memref<512x128xf32, #tpu.memory_space<vmem>>, vector<16xf32>,
      tpu.vector_store %arg6[%parallel_loop3A_580, %parallel_loop3A_581], %broadcast_in_dim3A_5 {strides = array<i32>} : memref<512x128xf32, #tpu.memory_space<vmem>>, vector<16xf32>,
      %parallel_loop3A_583 = arith.constant 13 : i32
      %parallel_loop3A_584 = arith.addi %parallel_loop3A_27, %parallel_loop3A_583 : i32
      %parallel_loop3A_585 = arith.index_cast %parallel_loop3A_584 : i32 to index
      %parallel_loop3A_586 = arith.constant 112 : index
      %parallel_loop3A_587 = tpu.vector_load %arg6[%parallel_loop3A_585, %parallel_loop3A_586] {strides = array<i32>} : memref<512x128xf32, #tpu.memory_space<vmem>>, vector<16xf32>,
      tpu.vector_store %arg6[%parallel_loop3A_585, %parallel_loop3A_586], %broadcast_in_dim3A_5 {strides = array<i32>} : memref<512x128xf32, #tpu.memory_space<vmem>>, vector<16xf32>,
      %parallel_loop3A_588 = arith.constant 14 : i32
      %parallel_loop3A_589 = arith.addi %parallel_loop3A_27, %parallel_loop3A_588 : i32
      %parallel_loop3A_590 = arith.index_cast %parallel_loop3A_589 : i32 to index
      %parallel_loop3A_591 = arith.constant 0 : index
      %parallel_loop3A_592 = tpu.vector_load %arg6[%parallel_loop3A_590, %parallel_loop3A_591] {strides = array<i32>} : memref<512x128xf32, #tpu.memory_space<vmem>>, vector<16xf32>,
      tpu.vector_store %arg6[%parallel_loop3A_590, %parallel_loop3A_591], %broadcast_in_dim3A_5 {strides = array<i32>} : memref<512x128xf32, #tpu.memory_space<vmem>>, vector<16xf32>,
      %parallel_loop3A_593 = arith.constant 14 : i32
      %parallel_loop3A_594 = arith.addi %parallel_loop3A_27, %parallel_loop3A_593 : i32
      %parallel_loop3A_595 = arith.index_cast %parallel_loop3A_594 : i32 to index
      %parallel_loop3A_596 = arith.constant 16 : index
      %parallel_loop3A_597 = tpu.vector_load %arg6[%parallel_loop3A_595, %parallel_loop3A_596] {strides = array<i32>} : memref<512x128xf32, #tpu.memory_space<vmem>>, vector<16xf32>,
      tpu.vector_store %arg6[%parallel_loop3A_595, %parallel_loop3A_596], %broadcast_in_dim3A_5 {strides = array<i32>} : memref<512x128xf32, #tpu.memory_space<vmem>>, vector<16xf32>,
      %parallel_loop3A_598 = arith.constant 14 : i32
      %parallel_loop3A_599 = arith.addi %parallel_loop3A_27, %parallel_loop3A_598 : i32
      %parallel_loop3A_600 = arith.index_cast %parallel_loop3A_599 : i32 to index
      %parallel_loop3A_601 = arith.constant 32 : index
      %parallel_loop3A_602 = tpu.vector_load %arg6[%parallel_loop3A_600, %parallel_loop3A_601] {strides = array<i32>} : memref<512x128xf32, #tpu.memory_space<vmem>>, vector<16xf32>,
      tpu.vector_store %arg6[%parallel_loop3A_600, %parallel_loop3A_601], %broadcast_in_dim3A_5 {strides = array<i32>} : memref<512x128xf32, #tpu.memory_space<vmem>>, vector<16xf32>,
      %parallel_loop3A_603 = arith.constant 14 : i32
      %parallel_loop3A_604 = arith.addi %parallel_loop3A_27, %parallel_loop3A_603 : i32
      %parallel_loop3A_605 = arith.index_cast %parallel_loop3A_604 : i32 to index
      %parallel_loop3A_606 = arith.constant 48 : index
      %parallel_loop3A_607 = tpu.vector_load %arg6[%parallel_loop3A_605, %parallel_loop3A_606] {strides = array<i32>} : memref<512x128xf32, #tpu.memory_space<vmem>>, vector<16xf32>,
      tpu.vector_store %arg6[%parallel_loop3A_605, %parallel_loop3A_606], %broadcast_in_dim3A_5 {strides = array<i32>} : memref<512x128xf32, #tpu.memory_space<vmem>>, vector<16xf32>,
      %parallel_loop3A_608 = arith.constant 14 : i32
      %parallel_loop3A_609 = arith.addi %parallel_loop3A_27, %parallel_loop3A_608 : i32
      %parallel_loop3A_610 = arith.index_cast %parallel_loop3A_609 : i32 to index
      %parallel_loop3A_611 = arith.constant 64 : index
      %parallel_loop3A_612 = tpu.vector_load %arg6[%parallel_loop3A_610, %parallel_loop3A_611] {strides = array<i32>} : memref<512x128xf32, #tpu.memory_space<vmem>>, vector<16xf32>,
      tpu.vector_store %arg6[%parallel_loop3A_610, %parallel_loop3A_611], %broadcast_in_dim3A_5 {strides = array<i32>} : memref<512x128xf32, #tpu.memory_space<vmem>>, vector<16xf32>,
      %parallel_loop3A_613 = arith.constant 14 : i32
      %parallel_loop3A_614 = arith.addi %parallel_loop3A_27, %parallel_loop3A_613 : i32
      %parallel_loop3A_615 = arith.index_cast %parallel_loop3A_614 : i32 to index
      %parallel_loop3A_616 = arith.constant 80 : index
      %parallel_loop3A_617 = tpu.vector_load %arg6[%parallel_loop3A_615, %parallel_loop3A_616] {strides = array<i32>} : memref<512x128xf32, #tpu.memory_space<vmem>>, vector<16xf32>,
      tpu.vector_store %arg6[%parallel_loop3A_615, %parallel_loop3A_616], %broadcast_in_dim3A_5 {strides = array<i32>} : memref<512x128xf32, #tpu.memory_space<vmem>>, vector<16xf32>,
      %parallel_loop3A_618 = arith.constant 14 : i32
      %parallel_loop3A_619 = arith.addi %parallel_loop3A_27, %parallel_loop3A_618 : i32
      %parallel_loop3A_620 = arith.index_cast %parallel_loop3A_619 : i32 to index
      %parallel_loop3A_621 = arith.constant 96 : index
      %parallel_loop3A_622 = tpu.vector_load %arg6[%parallel_loop3A_620, %parallel_loop3A_621] {strides = array<i32>} : memref<512x128xf32, #tpu.memory_space<vmem>>, vector<16xf32>,
      tpu.vector_store %arg6[%parallel_loop3A_620, %parallel_loop3A_621], %broadcast_in_dim3A_5 {strides = array<i32>} : memref<512x128xf32, #tpu.memory_space<vmem>>, vector<16xf32>,
      %parallel_loop3A_623 = arith.constant 14 : i32
      %parallel_loop3A_624 = arith.addi %parallel_loop3A_27, %parallel_loop3A_623 : i32
      %parallel_loop3A_625 = arith.index_cast %parallel_loop3A_624 : i32 to index
      %parallel_loop3A_626 = arith.constant 112 : index
      %parallel_loop3A_627 = tpu.vector_load %arg6[%parallel_loop3A_625, %parallel_loop3A_626] {strides = array<i32>} : memref<512x128xf32, #tpu.memory_space<vmem>>, vector<16xf32>,
      tpu.vector_store %arg6[%parallel_loop3A_625, %parallel_loop3A_626], %broadcast_in_dim3A_5 {strides = array<i32>} : memref<512x128xf32, #tpu.memory_space<vmem>>, vector<16xf32>,
      %parallel_loop3A_628 = arith.constant 15 : i32
      %parallel_loop3A_629 = arith.addi %parallel_loop3A_27, %parallel_loop3A_628 : i32
      %parallel_loop3A_630 = arith.index_cast %parallel_loop3A_629 : i32 to index
      %parallel_loop3A_631 = arith.constant 0 : index
      %parallel_loop3A_632 = tpu.vector_load %arg6[%parallel_loop3A_630, %parallel_loop3A_631] {strides = array<i32>} : memref<512x128xf32, #tpu.memory_space<vmem>>, vector<16xf32>,
      tpu.vector_store %arg6[%parallel_loop3A_630, %parallel_loop3A_631], %broadcast_in_dim3A_5 {strides = array<i32>} : memref<512x128xf32, #tpu.memory_space<vmem>>, vector<16xf32>,
      %parallel_loop3A_633 = arith.constant 15 : i32
      %parallel_loop3A_634 = arith.addi %parallel_loop3A_27, %parallel_loop3A_633 : i32
      %parallel_loop3A_635 = arith.index_cast %parallel_loop3A_634 : i32 to index
      %parallel_loop3A_636 = arith.constant 16 : index
      %parallel_loop3A_637 = tpu.vector_load %arg6[%parallel_loop3A_635, %parallel_loop3A_636] {strides = array<i32>} : memref<512x128xf32, #tpu.memory_space<vmem>>, vector<16xf32>,
      tpu.vector_store %arg6[%parallel_loop3A_635, %parallel_loop3A_636], %broadcast_in_dim3A_5 {strides = array<i32>} : memref<512x128xf32, #tpu.memory_space<vmem>>, vector<16xf32>,
      %parallel_loop3A_638 = arith.constant 15 : i32
      %parallel_loop3A_639 = arith.addi %parallel_loop3A_27, %parallel_loop3A_638 : i32
      %parallel_loop3A_640 = arith.index_cast %parallel_loop3A_639 : i32 to index
      %parallel_loop3A_641 = arith.constant 32 : index
      %parallel_loop3A_642 = tpu.vector_load %arg6[%parallel_loop3A_640, %parallel_loop3A_641] {strides = array<i32>} : memref<512x128xf32, #tpu.memory_space<vmem>>, vector<16xf32>,
      tpu.vector_store %arg6[%parallel_loop3A_640, %parallel_loop3A_641], %broadcast_in_dim3A_5 {strides = array<i32>} : memref<512x128xf32, #tpu.memory_space<vmem>>, vector<16xf32>,
      %parallel_loop3A_643 = arith.constant 15 : i32
      %parallel_loop3A_644 = arith.addi %parallel_loop3A_27, %parallel_loop3A_643 : i32
      %parallel_loop3A_645 = arith.index_cast %parallel_loop3A_644 : i32 to index
      %parallel_loop3A_646 = arith.constant 48 : index
      %parallel_loop3A_647 = tpu.vector_load %arg6[%parallel_loop3A_645, %parallel_loop3A_646] {strides = array<i32>} : memref<512x128xf32, #tpu.memory_space<vmem>>, vector<16xf32>,
      tpu.vector_store %arg6[%parallel_loop3A_645, %parallel_loop3A_646], %broadcast_in_dim3A_5 {strides = array<i32>} : memref<512x128xf32, #tpu.memory_space<vmem>>, vector<16xf32>,
      %parallel_loop3A_648 = arith.constant 15 : i32
      %parallel_loop3A_649 = arith.addi %parallel_loop3A_27, %parallel_loop3A_648 : i32
      %parallel_loop3A_650 = arith.index_cast %parallel_loop3A_649 : i32 to index
      %parallel_loop3A_651 = arith.constant 64 : index
      %parallel_loop3A_652 = tpu.vector_load %arg6[%parallel_loop3A_650, %parallel_loop3A_651] {strides = array<i32>} : memref<512x128xf32, #tpu.memory_space<vmem>>, vector<16xf32>,
      tpu.vector_store %arg6[%parallel_loop3A_650, %parallel_loop3A_651], %broadcast_in_dim3A_5 {strides = array<i32>} : memref<512x128xf32, #tpu.memory_space<vmem>>, vector<16xf32>,
      %parallel_loop3A_653 = arith.constant 15 : i32
      %parallel_loop3A_654 = arith.addi %parallel_loop3A_27, %parallel_loop3A_653 : i32
      %parallel_loop3A_655 = arith.index_cast %parallel_loop3A_654 : i32 to index
      %parallel_loop3A_656 = arith.constant 80 : index
      %parallel_loop3A_657 = tpu.vector_load %arg6[%parallel_loop3A_655, %parallel_loop3A_656] {strides = array<i32>} : memref<512x128xf32, #tpu.memory_space<vmem>>, vector<16xf32>,
      tpu.vector_store %arg6[%parallel_loop3A_655, %parallel_loop3A_656], %broadcast_in_dim3A_5 {strides = array<i32>} : memref<512x128xf32, #tpu.memory_space<vmem>>, vector<16xf32>,
      %parallel_loop3A_658 = arith.constant 15 : i32
      %parallel_loop3A_659 = arith.addi %parallel_loop3A_27, %parallel_loop3A_658 : i32
      %parallel_loop3A_660 = arith.index_cast %parallel_loop3A_659 : i32 to index
      %parallel_loop3A_661 = arith.constant 96 : index
      %parallel_loop3A_662 = tpu.vector_load %arg6[%parallel_loop3A_660, %parallel_loop3A_661] {strides = array<i32>} : memref<512x128xf32, #tpu.memory_space<vmem>>, vector<16xf32>,
      tpu.vector_store %arg6[%parallel_loop3A_660, %parallel_loop3A_661], %broadcast_in_dim3A_5 {strides = array<i32>} : memref<512x128xf32, #tpu.memory_space<vmem>>, vector<16xf32>,
      %parallel_loop3A_663 = arith.constant 15 : i32
      %parallel_loop3A_664 = arith.addi %parallel_loop3A_27, %parallel_loop3A_663 : i32
      %parallel_loop3A_665 = arith.index_cast %parallel_loop3A_664 : i32 to index
      %parallel_loop3A_666 = arith.constant 112 : index
      %parallel_loop3A_667 = tpu.vector_load %arg6[%parallel_loop3A_665, %parallel_loop3A_666] {strides = array<i32>} : memref<512x128xf32, #tpu.memory_space<vmem>>, vector<16xf32>,
      tpu.vector_store %arg6[%parallel_loop3A_665, %parallel_loop3A_666], %broadcast_in_dim3A_5 {strides = array<i32>} : memref<512x128xf32, #tpu.memory_space<vmem>>, vector<16xf32>,
      %parallel_loop3A_668 = vector.broadcast %parallel_loop3A_27 : i32 to vector<16xi32>
      %parallel_loop3A_669 = arith.addi %iota3A, %parallel_loop3A_668 : vector<16xi32>
      %parallel_loop3A_670 = arith.index_cast %parallel_loop3A_27 : i32 to index
      %parallel_loop3A_671 = tpu.vector_load %arg9[%parallel_loop3A_670] {strides = array<i32>} : memref<512xi32, #tpu.memory_space<vmem>>, vector<16xi32>,
      tpu.vector_store %arg9[%parallel_loop3A_670], %parallel_loop3A_669 {strides = array<i32>} : memref<512xi32, #tpu.memory_space<vmem>>, vector<16xi32>,
    } {sc.loop_unroll_factor = 2 : i64, sc.parallel_access}
    %mul3A_8 = arith.constant 32 : i32
    %mul3A_9 = arith.muli %arg1, %mul3A_8 : i32
    %mul3A_10 = arith.constant 32 : i32
    %mul3A_11 = arith.muli %arg1, %mul3A_10 : i32
    "tpu.region"() ({
      %run_scoped3A = tpu.sem_alloc : memref<!tpu.dma_semaphore, #tpu.memory_space<semaphore_mem>>
      %dma_start3A_27 = arith.constant 0 : i32
      %dma_start3A_28 = tpu.memref_slice %arg6[%mul3A_9, %dma_start3A_27] : memref<512x128xf32, #tpu.memory_space<vmem>> -> memref<32x128xf32, #tpu.memory_space<vmem>>
      %dma_start3A_29 = arith.constant 0 : i32
      %dma_start3A_30 = tpu.memref_slice %arg7[%mul3A_11, %dma_start3A_29] : memref<512x128xf32, #tpu.memory_space<vmem_shared>> -> memref<32x128xf32, #tpu.memory_space<vmem_shared>>
      %dma_start3A_31 = arith.constant 0 : i32
      %dma_start3A_32 = tpu.memref_slice %arg7[%mul3A_11, %dma_start3A_31] : memref<512x128xf32, #tpu.memory_space<vmem_shared>> -> memref<32x128xf32, #tpu.memory_space<vmem_shared>>
      %dma_start3A_33 = arith.constant 0 : i32
      %dma_start3A_34 = tpu.memref_slice %arg6[%mul3A_9, %dma_start3A_33] : memref<512x128xf32, #tpu.memory_space<vmem>> -> memref<32x128xf32, #tpu.memory_space<vmem>>
      tpu.enqueue_dma source(%dma_start3A_34 : memref<32x128xf32, #tpu.memory_space<vmem>>) target(%dma_start3A_32 : memref<32x128xf32, #tpu.memory_space<vmem_shared>>) target_semaphore(%run_scoped3A : memref<!tpu.dma_semaphore, #tpu.memory_space<semaphore_mem>>)
      %dma_wait3A = arith.constant 0 : i32
      %dma_wait3A_35 = tpu.memref_slice %arg6[%mul3A_9, %dma_wait3A] : memref<512x128xf32, #tpu.memory_space<vmem>> -> memref<32x128xf32, #tpu.memory_space<vmem>>
      %dma_wait3A_36 = arith.constant 0 : i32
      %dma_wait3A_37 = tpu.memref_slice %arg7[%mul3A_11, %dma_wait3A_36] : memref<512x128xf32, #tpu.memory_space<vmem_shared>> -> memref<32x128xf32, #tpu.memory_space<vmem_shared>>
      %dma_wait3A_38 = arith.constant 0 : i32
      %dma_wait3A_39 = tpu.memref_slice %arg7[%mul3A_11, %dma_wait3A_38] : memref<512x128xf32, #tpu.memory_space<vmem_shared>> -> memref<32x128xf32, #tpu.memory_space<vmem_shared>>
      %dma_wait3A_40 = arith.constant 0 : i32
      %dma_wait3A_41 = tpu.memref_slice %arg6[%mul3A_9, %dma_wait3A_40] : memref<512x128xf32, #tpu.memory_space<vmem>> -> memref<32x128xf32, #tpu.memory_space<vmem>>
      tpu.wait_dma2 semaphore(%run_scoped3A : memref<!tpu.dma_semaphore, #tpu.memory_space<semaphore_mem>>) src(%dma_wait3A_41 : memref<32x128xf32, #tpu.memory_space<vmem>>) dst(%dma_wait3A_39 : memref<32x128xf32, #tpu.memory_space<vmem_shared>>)
      tpu.yield
    }) : () -> ()
    %add3A_12 = arith.constant 0 : i32
    %add3A_13 = arith.addi %mul3A_2, %add3A_12 : i32
    %dma_start3A = arith.constant 0 : i32
    %dma_start3A_14 = tpu.memref_slice %arg2[%dma_start3A, %add3A_13] : memref<4x4194304xf32, #tpu.memory_space<hbm>> -> memref<4x4096xf32, #tpu.memory_space<hbm>>
    %dma_start3A_15 = arith.constant 0 : i32
    %dma_start3A_16 = tpu.memref_slice %arg2[%dma_start3A_15, %add3A_13] : memref<4x4194304xf32, #tpu.memory_space<hbm>> -> memref<4x4096xf32, #tpu.memory_space<hbm>>
    tpu.enqueue_dma source(%dma_start3A_16 : memref<4x4096xf32, #tpu.memory_space<hbm>>) target(%arg4 : memref<4x4096xf32, #tpu.memory_space<vmem>>) target_semaphore(%arg10 : memref<!tpu.dma_semaphore, #tpu.memory_space<semaphore_mem>>)
    %scan3A = arith.constant 0 : i32
    %scan3A_17 = arith.constant 0 : i32
    %scan3A_18 = arith.constant 16 : i32
    %scan3A_19 = arith.addi %scan3A_17, %scan3A_18 : i32
    %scan3A_20 = arith.constant 1 : i32
    scf.for %scan3A_27 = %scan3A_17 to %scan3A_19 step %scan3A_20  : i32 {
      %mul3A_28 = arith.constant 2 : i32
      %mul3A_29 = arith.muli %scan3A_27, %mul3A_28 : i32
      %add3A_30 = arith.constant 1 : i32
      %add3A_31 = arith.addi %mul3A_29, %add3A_30 : i32
      %mul3A_32 = arith.constant 4096 : i32
      %mul3A_33 = arith.muli %add3A_31, %mul3A_32 : i32
      %add3A_34 = arith.addi %mul3A_2, %mul3A_33 : i32
      %dma_start3A_35 = arith.constant 0 : i32
      %dma_start3A_36 = tpu.memref_slice %arg2[%dma_start3A_35, %add3A_34] : memref<4x4194304xf32, #tpu.memory_space<hbm>> -> memref<4x4096xf32, #tpu.memory_space<hbm>>
      %dma_start3A_37 = arith.constant 0 : i32
      %dma_start3A_38 = tpu.memref_slice %arg2[%dma_start3A_37, %add3A_34] : memref<4x4194304xf32, #tpu.memory_space<hbm>> -> memref<4x4096xf32, #tpu.memory_space<hbm>>
      tpu.enqueue_dma source(%dma_start3A_38 : memref<4x4096xf32, #tpu.memory_space<hbm>>) target(%arg5 : memref<4x4096xf32, #tpu.memory_space<vmem>>) target_semaphore(%arg11 : memref<!tpu.dma_semaphore, #tpu.memory_space<semaphore_mem>>)
      %dma_wait3A = arith.constant 0 : i32
      %dma_wait3A_39 = arith.constant 0 : i32
      %dma_wait3A_40 = tpu.memref_slice %arg2[%dma_wait3A, %dma_wait3A_39] : memref<4x4194304xf32, #tpu.memory_space<hbm>> -> memref<4x4096xf32, #tpu.memory_space<hbm>>
      %dma_wait3A_41 = arith.constant 0 : i32
      %dma_wait3A_42 = arith.constant 0 : i32
      %dma_wait3A_43 = tpu.memref_slice %arg2[%dma_wait3A_41, %dma_wait3A_42] : memref<4x4194304xf32, #tpu.memory_space<hbm>> -> memref<4x4096xf32, #tpu.memory_space<hbm>>
      tpu.wait_dma2 semaphore(%arg10 : memref<!tpu.dma_semaphore, #tpu.memory_space<semaphore_mem>>) src(%dma_wait3A_43 : memref<4x4096xf32, #tpu.memory_space<hbm>>) dst(%arg4 : memref<4x4096xf32, #tpu.memory_space<vmem>>)
      %parallel_loop3A_44 = arith.constant 0 : i32
      %parallel_loop3A_45 = arith.constant 4096 : i32
      %parallel_loop3A_46 = arith.constant 16 : i32
      scf.for %parallel_loop3A_60 = %parallel_loop3A_44 to %parallel_loop3A_45 step %parallel_loop3A_46  : i32 {
        %parallel_loop3A_61 = arith.constant 0 : i32
        %parallel_loop3A_62 = arith.index_cast %parallel_loop3A_61 : i32 to index
        %parallel_loop3A_63 = arith.index_cast %parallel_loop3A_60 : i32 to index
        %parallel_loop3A_64 = tpu.vector_load %arg4[%parallel_loop3A_62, %parallel_loop3A_63] {strides = array<i32>} : memref<4x4096xf32, #tpu.memory_space<vmem>>, vector<16xf32>,
        %parallel_loop3A_65 = arith.constant 2.66666675 : f32
        %parallel_loop3A_66 = vector.broadcast %parallel_loop3A_65 : f32 to vector<16xf32>
        %parallel_loop3A_67 = arith.mulf %parallel_loop3A_64, %parallel_loop3A_66 : vector<16xf32>
        %parallel_loop3A_68 = arith.constant 8.000000e+00 : f32
        %parallel_loop3A_69 = vector.broadcast %parallel_loop3A_68 : f32 to vector<16xf32>
        %parallel_loop3A_70 = arith.addf %parallel_loop3A_67, %parallel_loop3A_69 : vector<16xf32>
        %parallel_loop3A_71 = arith.constant 1 : i32
        %parallel_loop3A_72 = arith.index_cast %parallel_loop3A_71 : i32 to index
        %parallel_loop3A_73 = arith.index_cast %parallel_loop3A_60 : i32 to index
        %parallel_loop3A_74 = tpu.vector_load %arg4[%parallel_loop3A_72, %parallel_loop3A_73] {strides = array<i32>} : memref<4x4096xf32, #tpu.memory_space<vmem>>, vector<16xf32>,
        %parallel_loop3A_75 = arith.constant 2.66666675 : f32
        %parallel_loop3A_76 = vector.broadcast %parallel_loop3A_75 : f32 to vector<16xf32>
        %parallel_loop3A_77 = arith.mulf %parallel_loop3A_74, %parallel_loop3A_76 : vector<16xf32>
        %parallel_loop3A_78 = arith.constant 8.000000e+00 : f32
        %parallel_loop3A_79 = vector.broadcast %parallel_loop3A_78 : f32 to vector<16xf32>
        %parallel_loop3A_80 = arith.addf %parallel_loop3A_77, %parallel_loop3A_79 : vector<16xf32>
        %parallel_loop3A_81 = arith.constant 2 : i32
        %parallel_loop3A_82 = arith.index_cast %parallel_loop3A_81 : i32 to index
        %parallel_loop3A_83 = arith.index_cast %parallel_loop3A_60 : i32 to index
        %parallel_loop3A_84 = tpu.vector_load %arg4[%parallel_loop3A_82, %parallel_loop3A_83] {strides = array<i32>} : memref<4x4096xf32, #tpu.memory_space<vmem>>, vector<16xf32>,
        %parallel_loop3A_85 = arith.constant 2.66666675 : f32
        %parallel_loop3A_86 = vector.broadcast %parallel_loop3A_85 : f32 to vector<16xf32>
        %parallel_loop3A_87 = arith.mulf %parallel_loop3A_84, %parallel_loop3A_86 : vector<16xf32>
        %parallel_loop3A_88 = arith.constant 8.000000e+00 : f32
        %parallel_loop3A_89 = vector.broadcast %parallel_loop3A_88 : f32 to vector<16xf32>
        %parallel_loop3A_90 = arith.addf %parallel_loop3A_87, %parallel_loop3A_89 : vector<16xf32>
        %parallel_loop3A_91 = arith.constant 3 : i32
        %parallel_loop3A_92 = arith.index_cast %parallel_loop3A_91 : i32 to index
        %parallel_loop3A_93 = arith.index_cast %parallel_loop3A_60 : i32 to index
        %parallel_loop3A_94 = tpu.vector_load %arg4[%parallel_loop3A_92, %parallel_loop3A_93] {strides = array<i32>} : memref<4x4096xf32, #tpu.memory_space<vmem>>, vector<16xf32>,
        %parallel_loop3A_95 = arith.constant 2.66666675 : f32
        %parallel_loop3A_96 = vector.broadcast %parallel_loop3A_95 : f32 to vector<16xf32>
        %parallel_loop3A_97 = arith.mulf %parallel_loop3A_94, %parallel_loop3A_96 : vector<16xf32>
        %parallel_loop3A_98 = arith.constant 8.000000e+00 : f32
        %parallel_loop3A_99 = vector.broadcast %parallel_loop3A_98 : f32 to vector<16xf32>
        %parallel_loop3A_100 = arith.addf %parallel_loop3A_97, %parallel_loop3A_99 : vector<16xf32>
        %parallel_loop3A_101 = arith.constant 0.000000e+00 : f32
        %parallel_loop3A_102 = vector.broadcast %parallel_loop3A_101 : f32 to vector<16xf32>
        %parallel_loop3A_103 = arith.maximumf %parallel_loop3A_70, %parallel_loop3A_102 : vector<16xf32>
        %parallel_loop3A_104 = arith.constant 1.500000e+01 : f32
        %parallel_loop3A_105 = vector.broadcast %parallel_loop3A_104 : f32 to vector<16xf32>
        %parallel_loop3A_106 = arith.minimumf %parallel_loop3A_103, %parallel_loop3A_105 : vector<16xf32>
        %parallel_loop3A_107 = arith.constant 0.000000e+00 : f32
        %parallel_loop3A_108 = vector.broadcast %parallel_loop3A_107 : f32 to vector<16xf32>
        %parallel_loop3A_109 = arith.maximumf %parallel_loop3A_80, %parallel_loop3A_108 : vector<16xf32>
        %parallel_loop3A_110 = arith.constant 1.500000e+01 : f32
        %parallel_loop3A_111 = vector.broadcast %parallel_loop3A_110 : f32 to vector<16xf32>
        %parallel_loop3A_112 = arith.minimumf %parallel_loop3A_109, %parallel_loop3A_111 : vector<16xf32>
        %parallel_loop3A_113 = arith.constant 0.000000e+00 : f32
        %parallel_loop3A_114 = vector.broadcast %parallel_loop3A_113 : f32 to vector<16xf32>
        %parallel_loop3A_115 = arith.maximumf %parallel_loop3A_90, %parallel_loop3A_114 : vector<16xf32>
        %parallel_loop3A_116 = arith.constant 1.500000e+01 : f32
        %parallel_loop3A_117 = vector.broadcast %parallel_loop3A_116 : f32 to vector<16xf32>
        %parallel_loop3A_118 = arith.minimumf %parallel_loop3A_115, %parallel_loop3A_117 : vector<16xf32>
        %parallel_loop3A_119 = arith.constant 0.000000e+00 : f32
        %parallel_loop3A_120 = vector.broadcast %parallel_loop3A_119 : f32 to vector<16xf32>
        %parallel_loop3A_121 = arith.maximumf %parallel_loop3A_100, %parallel_loop3A_120 : vector<16xf32>
        %parallel_loop3A_122 = arith.constant 1.500000e+01 : f32
        %parallel_loop3A_123 = vector.broadcast %parallel_loop3A_122 : f32 to vector<16xf32>
        %parallel_loop3A_124 = arith.minimumf %parallel_loop3A_121, %parallel_loop3A_123 : vector<16xf32>
        %parallel_loop3A_125 = arith.fptosi %parallel_loop3A_106 : vector<16xf32> to vector<16xi32>
        %parallel_loop3A_126 = arith.fptosi %parallel_loop3A_112 : vector<16xf32> to vector<16xi32>
        %parallel_loop3A_127 = arith.fptosi %parallel_loop3A_118 : vector<16xf32> to vector<16xi32>
        %parallel_loop3A_128 = arith.fptosi %parallel_loop3A_124 : vector<16xf32> to vector<16xi32>
        %parallel_loop3A_129 = arith.constant 4096 : i32
        %parallel_loop3A_130 = vector.broadcast %parallel_loop3A_129 : i32 to vector<16xi32>
        %parallel_loop3A_131 = arith.muli %parallel_loop3A_125, %parallel_loop3A_130 : vector<16xi32>
        %parallel_loop3A_132 = arith.constant 16 : i32
        %parallel_loop3A_133 = vector.broadcast %parallel_loop3A_132 : i32 to vector<16xi32>
        %parallel_loop3A_134 = arith.muli %parallel_loop3A_127, %parallel_loop3A_133 : vector<16xi32>
        %parallel_loop3A_135 = arith.addi %parallel_loop3A_131, %parallel_loop3A_134 : vector<16xi32>
        %parallel_loop3A_136 = arith.constant 256 : i32
        %parallel_loop3A_137 = vector.broadcast %parallel_loop3A_136 : i32 to vector<16xi32>
        %parallel_loop3A_138 = arith.muli %parallel_loop3A_126, %parallel_loop3A_137 : vector<16xi32>
        %parallel_loop3A_139 = arith.addi %parallel_loop3A_138, %parallel_loop3A_128 : vector<16xi32>
        %parallel_loop3A_140 = arith.addi %parallel_loop3A_135, %parallel_loop3A_139 : vector<16xi32>
        %parallel_loop3A_141 = arith.constant 7 : i32
        %parallel_loop3A_142 = vector.broadcast %parallel_loop3A_141 : i32 to vector<16xi32>
        %parallel_loop3A_143 = arith.shrui %parallel_loop3A_140, %parallel_loop3A_142 : vector<16xi32>
        %parallel_loop3A_144 = arith.constant 127 : i32
        %parallel_loop3A_145 = vector.broadcast %parallel_loop3A_144 : i32 to vector<16xi32>
        %parallel_loop3A_146 = arith.andi %parallel_loop3A_140, %parallel_loop3A_145 : vector<16xi32>
        tpu.vector_store_idx %arg6[%parallel_loop3A_143, %parallel_loop3A_146], %broadcast_in_dim3A_3 {add = true} : memref<512x128xf32, #tpu.memory_space<vmem>>[vector<16xi32>, vector<16xi32>], vector<16xf32>,
      } {sc.loop_unroll_factor = 4 : i64, sc.parallel_access}
      %add3A_47 = arith.constant 2 : i32
      %add3A_48 = arith.addi %mul3A_29, %add3A_47 : i32
      %lt3A = arith.constant 32 : i32
      %lt3A_49 = arith.cmpi slt, %add3A_48, %lt3A : i32
      %convert_element_type3A = arith.extui %lt3A_49 : i1 to i32
      %cond3A = arith.constant 0 : i32
      %cond3A_50 = arith.cmpi ne, %convert_element_type3A, %cond3A : i32
      scf.if %cond3A_50 {
        %add3A_60 = arith.constant 2 : i32
        %add3A_61 = arith.addi %mul3A_29, %add3A_60 : i32
        %mul3A_62 = arith.constant 4096 : i32
        %mul3A_63 = arith.muli %add3A_61, %mul3A_62 : i32
        %add3A_64 = arith.addi %mul3A_2, %mul3A_63 : i32
        %dma_start3A_65 = arith.constant 0 : i32
        %dma_start3A_66 = tpu.memref_slice %arg2[%dma_start3A_65, %add3A_64] : memref<4x4194304xf32, #tpu.memory_space<hbm>> -> memref<4x4096xf32, #tpu.memory_space<hbm>>
        %dma_start3A_67 = arith.constant 0 : i32
        %dma_start3A_68 = tpu.memref_slice %arg2[%dma_start3A_67, %add3A_64] : memref<4x4194304xf32, #tpu.memory_space<hbm>> -> memref<4x4096xf32, #tpu.memory_space<hbm>>
        tpu.enqueue_dma source(%dma_start3A_68 : memref<4x4096xf32, #tpu.memory_space<hbm>>) target(%arg4 : memref<4x4096xf32, #tpu.memory_space<vmem>>) target_semaphore(%arg10 : memref<!tpu.dma_semaphore, #tpu.memory_space<semaphore_mem>>)
      } else {
      }
      %dma_wait3A_51 = arith.constant 0 : i32
      %dma_wait3A_52 = arith.constant 0 : i32
      %dma_wait3A_53 = tpu.memref_slice %arg2[%dma_wait3A_51, %dma_wait3A_52] : memref<4x4194304xf32, #tpu.memory_space<hbm>> -> memref<4x4096xf32, #tpu.memory_space<hbm>>
      %dma_wait3A_54 = arith.constant 0 : i32
      %dma_wait3A_55 = arith.constant 0 : i32
      %dma_wait3A_56 = tpu.memref_slice %arg2[%dma_wait3A_54, %dma_wait3A_55] : memref<4x4194304xf32, #tpu.memory_space<hbm>> -> memref<4x4096xf32, #tpu.memory_space<hbm>>
      tpu.wait_dma2 semaphore(%arg11 : memref<!tpu.dma_semaphore, #tpu.memory_space<semaphore_mem>>) src(%dma_wait3A_56 : memref<4x4096xf32, #tpu.memory_space<hbm>>) dst(%arg5 : memref<4x4096xf32, #tpu.memory_space<vmem>>)
      %parallel_loop3A_57 = arith.constant 0 : i32
      %parallel_loop3A_58 = arith.constant 4096 : i32
      %parallel_loop3A_59 = arith.constant 16 : i32
      scf.for %parallel_loop3A_60 = %parallel_loop3A_57 to %parallel_loop3A_58 step %parallel_loop3A_59  : i32 {
        %parallel_loop3A_61 = arith.constant 0 : i32
        %parallel_loop3A_62 = arith.index_cast %parallel_loop3A_61 : i32 to index
        %parallel_loop3A_63 = arith.index_cast %parallel_loop3A_60 : i32 to index
        %parallel_loop3A_64 = tpu.vector_load %arg5[%parallel_loop3A_62, %parallel_loop3A_63] {strides = array<i32>} : memref<4x4096xf32, #tpu.memory_space<vmem>>, vector<16xf32>,
        %parallel_loop3A_65 = arith.constant 2.66666675 : f32
        %parallel_loop3A_66 = vector.broadcast %parallel_loop3A_65 : f32 to vector<16xf32>
        %parallel_loop3A_67 = arith.mulf %parallel_loop3A_64, %parallel_loop3A_66 : vector<16xf32>
        %parallel_loop3A_68 = arith.constant 8.000000e+00 : f32
        %parallel_loop3A_69 = vector.broadcast %parallel_loop3A_68 : f32 to vector<16xf32>
        %parallel_loop3A_70 = arith.addf %parallel_loop3A_67, %parallel_loop3A_69 : vector<16xf32>
        %parallel_loop3A_71 = arith.constant 1 : i32
        %parallel_loop3A_72 = arith.index_cast %parallel_loop3A_71 : i32 to index
        %parallel_loop3A_73 = arith.index_cast %parallel_loop3A_60 : i32 to index
        %parallel_loop3A_74 = tpu.vector_load %arg5[%parallel_loop3A_72, %parallel_loop3A_73] {strides = array<i32>} : memref<4x4096xf32, #tpu.memory_space<vmem>>, vector<16xf32>,
        %parallel_loop3A_75 = arith.constant 2.66666675 : f32
        %parallel_loop3A_76 = vector.broadcast %parallel_loop3A_75 : f32 to vector<16xf32>
        %parallel_loop3A_77 = arith.mulf %parallel_loop3A_74, %parallel_loop3A_76 : vector<16xf32>
        %parallel_loop3A_78 = arith.constant 8.000000e+00 : f32
        %parallel_loop3A_79 = vector.broadcast %parallel_loop3A_78 : f32 to vector<16xf32>
        %parallel_loop3A_80 = arith.addf %parallel_loop3A_77, %parallel_loop3A_79 : vector<16xf32>
        %parallel_loop3A_81 = arith.constant 2 : i32
        %parallel_loop3A_82 = arith.index_cast %parallel_loop3A_81 : i32 to index
        %parallel_loop3A_83 = arith.index_cast %parallel_loop3A_60 : i32 to index
        %parallel_loop3A_84 = tpu.vector_load %arg5[%parallel_loop3A_82, %parallel_loop3A_83] {strides = array<i32>} : memref<4x4096xf32, #tpu.memory_space<vmem>>, vector<16xf32>,
        %parallel_loop3A_85 = arith.constant 2.66666675 : f32
        %parallel_loop3A_86 = vector.broadcast %parallel_loop3A_85 : f32 to vector<16xf32>
        %parallel_loop3A_87 = arith.mulf %parallel_loop3A_84, %parallel_loop3A_86 : vector<16xf32>
        %parallel_loop3A_88 = arith.constant 8.000000e+00 : f32
        %parallel_loop3A_89 = vector.broadcast %parallel_loop3A_88 : f32 to vector<16xf32>
        %parallel_loop3A_90 = arith.addf %parallel_loop3A_87, %parallel_loop3A_89 : vector<16xf32>
        %parallel_loop3A_91 = arith.constant 3 : i32
        %parallel_loop3A_92 = arith.index_cast %parallel_loop3A_91 : i32 to index
        %parallel_loop3A_93 = arith.index_cast %parallel_loop3A_60 : i32 to index
        %parallel_loop3A_94 = tpu.vector_load %arg5[%parallel_loop3A_92, %parallel_loop3A_93] {strides = array<i32>} : memref<4x4096xf32, #tpu.memory_space<vmem>>, vector<16xf32>,
        %parallel_loop3A_95 = arith.constant 2.66666675 : f32
        %parallel_loop3A_96 = vector.broadcast %parallel_loop3A_95 : f32 to vector<16xf32>
        %parallel_loop3A_97 = arith.mulf %parallel_loop3A_94, %parallel_loop3A_96 : vector<16xf32>
        %parallel_loop3A_98 = arith.constant 8.000000e+00 : f32
        %parallel_loop3A_99 = vector.broadcast %parallel_loop3A_98 : f32 to vector<16xf32>
        %parallel_loop3A_100 = arith.addf %parallel_loop3A_97, %parallel_loop3A_99 : vector<16xf32>
        %parallel_loop3A_101 = arith.constant 0.000000e+00 : f32
        %parallel_loop3A_102 = vector.broadcast %parallel_loop3A_101 : f32 to vector<16xf32>
        %parallel_loop3A_103 = arith.maximumf %parallel_loop3A_70, %parallel_loop3A_102 : vector<16xf32>
        %parallel_loop3A_104 = arith.constant 1.500000e+01 : f32
        %parallel_loop3A_105 = vector.broadcast %parallel_loop3A_104 : f32 to vector<16xf32>
        %parallel_loop3A_106 = arith.minimumf %parallel_loop3A_103, %parallel_loop3A_105 : vector<16xf32>
        %parallel_loop3A_107 = arith.constant 0.000000e+00 : f32
        %parallel_loop3A_108 = vector.broadcast %parallel_loop3A_107 : f32 to vector<16xf32>
        %parallel_loop3A_109 = arith.maximumf %parallel_loop3A_80, %parallel_loop3A_108 : vector<16xf32>
        %parallel_loop3A_110 = arith.constant 1.500000e+01 : f32
        %parallel_loop3A_111 = vector.broadcast %parallel_loop3A_110 : f32 to vector<16xf32>
        %parallel_loop3A_112 = arith.minimumf %parallel_loop3A_109, %parallel_loop3A_111 : vector<16xf32>
        %parallel_loop3A_113 = arith.constant 0.000000e+00 : f32
        %parallel_loop3A_114 = vector.broadcast %parallel_loop3A_113 : f32 to vector<16xf32>
        %parallel_loop3A_115 = arith.maximumf %parallel_loop3A_90, %parallel_loop3A_114 : vector<16xf32>
        %parallel_loop3A_116 = arith.constant 1.500000e+01 : f32
        %parallel_loop3A_117 = vector.broadcast %parallel_loop3A_116 : f32 to vector<16xf32>
        %parallel_loop3A_118 = arith.minimumf %parallel_loop3A_115, %parallel_loop3A_117 : vector<16xf32>
        %parallel_loop3A_119 = arith.constant 0.000000e+00 : f32
        %parallel_loop3A_120 = vector.broadcast %parallel_loop3A_119 : f32 to vector<16xf32>
        %parallel_loop3A_121 = arith.maximumf %parallel_loop3A_100, %parallel_loop3A_120 : vector<16xf32>
        %parallel_loop3A_122 = arith.constant 1.500000e+01 : f32
        %parallel_loop3A_123 = vector.broadcast %parallel_loop3A_122 : f32 to vector<16xf32>
        %parallel_loop3A_124 = arith.minimumf %parallel_loop3A_121, %parallel_loop3A_123 : vector<16xf32>
        %parallel_loop3A_125 = arith.fptosi %parallel_loop3A_106 : vector<16xf32> to vector<16xi32>
        %parallel_loop3A_126 = arith.fptosi %parallel_loop3A_112 : vector<16xf32> to vector<16xi32>
        %parallel_loop3A_127 = arith.fptosi %parallel_loop3A_118 : vector<16xf32> to vector<16xi32>
        %parallel_loop3A_128 = arith.fptosi %parallel_loop3A_124 : vector<16xf32> to vector<16xi32>
        %parallel_loop3A_129 = arith.constant 4096 : i32
        %parallel_loop3A_130 = vector.broadcast %parallel_loop3A_129 : i32 to vector<16xi32>
        %parallel_loop3A_131 = arith.muli %parallel_loop3A_125, %parallel_loop3A_130 : vector<16xi32>
        %parallel_loop3A_132 = arith.constant 16 : i32
        %parallel_loop3A_133 = vector.broadcast %parallel_loop3A_132 : i32 to vector<16xi32>
        %parallel_loop3A_134 = arith.muli %parallel_loop3A_127, %parallel_loop3A_133 : vector<16xi32>
        %parallel_loop3A_135 = arith.addi %parallel_loop3A_131, %parallel_loop3A_134 : vector<16xi32>
        %parallel_loop3A_136 = arith.constant 256 : i32
        %parallel_loop3A_137 = vector.broadcast %parallel_loop3A_136 : i32 to vector<16xi32>
        %parallel_loop3A_138 = arith.muli %parallel_loop3A_126, %parallel_loop3A_137 : vector<16xi32>
        %parallel_loop3A_139 = arith.addi %parallel_loop3A_138, %parallel_loop3A_128 : vector<16xi32>
        %parallel_loop3A_140 = arith.addi %parallel_loop3A_135, %parallel_loop3A_139 : vector<16xi32>
        %parallel_loop3A_141 = arith.constant 7 : i32
        %parallel_loop3A_142 = vector.broadcast %parallel_loop3A_141 : i32 to vector<16xi32>
        %parallel_loop3A_143 = arith.shrui %parallel_loop3A_140, %parallel_loop3A_142 : vector<16xi32>
        %parallel_loop3A_144 = arith.constant 127 : i32
        %parallel_loop3A_145 = vector.broadcast %parallel_loop3A_144 : i32 to vector<16xi32>
        %parallel_loop3A_146 = arith.andi %parallel_loop3A_140, %parallel_loop3A_145 : vector<16xi32>
        tpu.vector_store_idx %arg6[%parallel_loop3A_143, %parallel_loop3A_146], %broadcast_in_dim3A_3 {add = true} : memref<512x128xf32, #tpu.memory_space<vmem>>[vector<16xi32>, vector<16xi32>], vector<16xf32>,
      } {sc.loop_unroll_factor = 4 : i64, sc.parallel_access}
    }
    %scan3A_21 = arith.constant 16 : i32
    %barrier3A = arith.constant 0 : index
    tpu.barrier barrier_id(%barrier3A)
    "tpu.region"() ({
      %run_scoped3A = tpu.sem_alloc : memref<!tpu.dma_semaphore, #tpu.memory_space<semaphore_mem>>
      %dma_start3A_27 = arith.constant 0 : i32
      %dma_start3A_28 = arith.constant 0 : i32
      %dma_start3A_29 = tpu.memref_slice %arg7[%dma_start3A_27, %dma_start3A_28] : memref<512x128xf32, #tpu.memory_space<vmem_shared>> -> memref<512x128xf32, #tpu.memory_space<vmem_shared>>
      tpu.enqueue_indirect_dma source(%arg6 : memref<512x128xf32, #tpu.memory_space<vmem>>) target(%dma_start3A_29 : memref<512x128xf32, #tpu.memory_space<vmem_shared>>) offsets(%arg9 : memref<512xi32, #tpu.memory_space<vmem>>) semaphore(%run_scoped3A : memref<!tpu.dma_semaphore, #tpu.memory_space<semaphore_mem>>) {add = true}
      %dma_wait3A = arith.constant 0 : i32
      %dma_wait3A_30 = arith.constant 0 : i32
      %dma_wait3A_31 = tpu.memref_slice %arg7[%dma_wait3A, %dma_wait3A_30] : memref<512x128xf32, #tpu.memory_space<vmem_shared>> -> memref<512x128xf32, #tpu.memory_space<vmem_shared>>
      tpu.wait_indirect_dma semaphore(%run_scoped3A : memref<!tpu.dma_semaphore, #tpu.memory_space<semaphore_mem>>) src(%arg6 : memref<512x128xf32, #tpu.memory_space<vmem>>) dst(%dma_wait3A_31 : memref<512x128xf32, #tpu.memory_space<vmem_shared>>)
      tpu.yield
    }) : () -> ()
    %barrier3A_22 = arith.constant 0 : index
    tpu.barrier barrier_id(%barrier3A_22)
    %mul3A_23 = arith.constant 32 : i32
    %mul3A_24 = arith.muli %arg1, %mul3A_23 : i32
    "tpu.region"() ({
      %run_scoped3A = tpu.sem_alloc : memref<!tpu.dma_semaphore, #tpu.memory_space<semaphore_mem>>
      %dma_start3A_27 = arith.constant 0 : i32
      %dma_start3A_28 = tpu.memref_slice %arg7[%mul3A_24, %dma_start3A_27] : memref<512x128xf32, #tpu.memory_space<vmem_shared>> -> memref<32x128xf32, #tpu.memory_space<vmem_shared>>
      %dma_start3A_29 = arith.constant 0 : i32
      %dma_start3A_30 = tpu.memref_slice %arg7[%mul3A_24, %dma_start3A_29] : memref<512x128xf32, #tpu.memory_space<vmem_shared>> -> memref<32x128xf32, #tpu.memory_space<vmem_shared>>
      tpu.enqueue_dma source(%dma_start3A_30 : memref<32x128xf32, #tpu.memory_space<vmem_shared>>) target(%arg8 : memref<32x128xf32, #tpu.memory_space<vmem>>) target_semaphore(%run_scoped3A : memref<!tpu.dma_semaphore, #tpu.memory_space<semaphore_mem>>)
      %dma_wait3A = arith.constant 0 : i32
      %dma_wait3A_31 = tpu.memref_slice %arg7[%mul3A_24, %dma_wait3A] : memref<512x128xf32, #tpu.memory_space<vmem_shared>> -> memref<32x128xf32, #tpu.memory_space<vmem_shared>>
      %dma_wait3A_32 = arith.constant 0 : i32
      %dma_wait3A_33 = tpu.memref_slice %arg7[%mul3A_24, %dma_wait3A_32] : memref<512x128xf32, #tpu.memory_space<vmem_shared>> -> memref<32x128xf32, #tpu.memory_space<vmem_shared>>
      tpu.wait_dma2 semaphore(%run_scoped3A : memref<!tpu.dma_semaphore, #tpu.memory_space<semaphore_mem>>) src(%dma_wait3A_33 : memref<32x128xf32, #tpu.memory_space<vmem_shared>>) dst(%arg8 : memref<32x128xf32, #tpu.memory_space<vmem>>)
      tpu.yield
    }) : () -> ()
    %mul3A_25 = arith.constant 32 : i32
    %mul3A_26 = arith.muli %arg1, %mul3A_25 : i32
    "tpu.region"() ({
      %run_scoped3A = tpu.sem_alloc : memref<!tpu.dma_semaphore, #tpu.memory_space<semaphore_mem>>
      %dma_start3A_27 = arith.constant 0 : i32
      %dma_start3A_28 = tpu.memref_slice %arg3[%arg0, %mul3A_26, %dma_start3A_27] : memref<2x512x128xf32, #tpu.memory_space<hbm>> -> memref<1x32x128xf32, #tpu.memory_space<hbm>>
      %dma_start3A_29 = tpu.memref_squeeze %dma_start3A_28 : memref<1x32x128xf32, #tpu.memory_space<hbm>> -> memref<32x128xf32, #tpu.memory_space<hbm>>
      %dma_start3A_30 = arith.constant 0 : i32
      %dma_start3A_31 = tpu.memref_slice %arg3[%arg0, %mul3A_26, %dma_start3A_30] : memref<2x512x128xf32, #tpu.memory_space<hbm>> -> memref<1x32x128xf32, #tpu.memory_space<hbm>>
      %dma_start3A_32 = tpu.memref_squeeze %dma_start3A_31 : memref<1x32x128xf32, #tpu.memory_space<hbm>> -> memref<32x128xf32, #tpu.memory_space<hbm>>
      tpu.enqueue_dma source(%arg8 : memref<32x128xf32, #tpu.memory_space<vmem>>) target(%dma_start3A_32 : memref<32x128xf32, #tpu.memory_space<hbm>>) target_semaphore(%run_scoped3A : memref<!tpu.dma_semaphore, #tpu.memory_space<semaphore_mem>>)
      %dma_wait3A = arith.constant 0 : i32
      %dma_wait3A_33 = tpu.memref_slice %arg3[%arg0, %mul3A_26, %dma_wait3A] : memref<2x512x128xf32, #tpu.memory_space<hbm>> -> memref<1x32x128xf32, #tpu.memory_space<hbm>>
      %dma_wait3A_34 = tpu.memref_squeeze %dma_wait3A_33 : memref<1x32x128xf32, #tpu.memory_space<hbm>> -> memref<32x128xf32, #tpu.memory_space<hbm>>
      %dma_wait3A_35 = arith.constant 0 : i32
      %dma_wait3A_36 = tpu.memref_slice %arg3[%arg0, %mul3A_26, %dma_wait3A_35] : memref<2x512x128xf32, #tpu.memory_space<hbm>> -> memref<1x32x128xf32, #tpu.memory_space<hbm>>
      %dma_wait3A_37 = tpu.memref_squeeze %dma_wait3A_36 : memref<1x32x128xf32, #tpu.memory_space<hbm>> -> memref<32x128xf32, #tpu.memory_space<hbm>>
      tpu.wait_dma2 semaphore(%run_scoped3A : memref<!tpu.dma_semaphore, #tpu.memory_space<semaphore_mem>>) src(%arg8 : memref<32x128xf32, #tpu.memory_space<vmem>>) dst(%dma_wait3A_37 : memref<32x128xf32, #tpu.memory_space<hbm>>)
      tpu.yield
    }) : () -> ()
    return
  }
}

module attributes {stable_mosaic.version = 14 : i64} {
  func.func @_add_cores(%arg0: memref<2x512x128xf32, #tpu.memory_space<vmem>>, %arg1: memref<512x128xf32, #tpu.memory_space<vmem>>) attributes {dimension_semantics = [], scalar_prefetch = 0 : i64, scratch_operands = 0 : i64, tpu.core_type = #tpu.core_type<tc>} {
    %get3A = arith.constant 0 : index
    %get3A_0 = arith.constant 0 : index
    %get3A_1 = arith.constant 0 : index
    %get3A_2 = vector.load %arg0[%get3A, %get3A_0, %get3A_1] : memref<2x512x128xf32, #tpu.memory_space<vmem>>, vector<1x512x128xf32>
    %get3A_3 = vector.shape_cast %get3A_2 : vector<1x512x128xf32> to vector<512x128xf32>
    %get3A_4 = arith.constant 1 : index
    %get3A_5 = arith.constant 0 : index
    %get3A_6 = arith.constant 0 : index
    %get3A_7 = vector.load %arg0[%get3A_4, %get3A_5, %get3A_6] : memref<2x512x128xf32, #tpu.memory_space<vmem>>, vector<1x512x128xf32>
    %get3A_8 = vector.shape_cast %get3A_7 : vector<1x512x128xf32> to vector<512x128xf32>
    %add3A = arith.addf %get3A_3, %get3A_8 : vector<512x128xf32>
    %swap3A = arith.constant 0 : index
    %swap3A_9 = arith.constant 0 : index
    %swap3A_10 = vector.load %arg1[%swap3A, %swap3A_9] : memref<512x128xf32, #tpu.memory_space<vmem>>, vector<512x128xf32>
    tpu.vector_store %arg1[%swap3A, %swap3A_9], %add3A {strides = array<i32>} : memref<512x128xf32, #tpu.memory_space<vmem>>, vector<512x128xf32>,
    return
  }
}

</mosaic_0001>

<sc_bundles>
// kernel: kernel.4.cloned.1.call-start
scs
__scs_entry_jumppad:
0x0: {  	(pc) =	sbr.rel $0x88, $3  }
0x1: {  	(tag) =	ssettag $0x0;
	lr =	simm.s32 $0x1  }
0x2: {  	[smem:$0x3FA0] =	sst lr;
	_ =	strace $0xD0000000  }
0x3: {  	_ = 	snop  }
0x4: {  	_ = 	snop  }
0x5: {  	_ = 	snop  }
0x6: {  	_ = 	snop  }
0x7: {  	_ = 	snop  }
__scs_overlays_trampoline_lowered:
0x8: {  	[smem:$0x3FAF] =	sst s0  }
0x9: {  	[smem:$0x3FB0] =	sst s1  }
0xa: {  	[smem:$0x3FB1] =	sst s2  }
0xb: {  	[smem:$0x3FB2] =	sst s3  }
0xc: {  	[smem:$0x3FB3] =	sst s4  }
0xd: {  	[smem:$0x3FB4] =	sst s5  }
0xe: {  	[smem:$0x3FB5] =	sst s6  }
0xf: {  	[smem:$0x3FB6] =	sst s7  }
0x10: {  	[smem:$0x3FB7] =	sst s8  }
0x11: {  	[smem:$0x3FB8] =	sst s9;
	s0 =	simm.s32 @!p0 $0x0  }
0x12: {  	s1 =	sld [smem:$0x3F9E];
	s0 =	simm.s32 @p0 $0x1  }
0x13: {  	[smem:$0x3FB9] =	sst s0;
	s0 =	simm.s32 @!p1 $0x0  }
0x14: {  	s2 =	sld [smem:$0x3F9D];
	s0 =	simm.s32 @p1 $0x1  }
0x15: {  	[smem:$0x3FBA] =	sst s0;
	s0 =	simm.s32 @!p2 $0x0  }
0x16: {  	s3 =	sld [smem:$0x3FDB];
	s0 =	simm.s32 @p2 $0x1  }
0x17: {  	s4 =	simm.s32 $0x1BF5;
	[smem:$0x3FBC] =	sst s0  }
0x18: {  	s0 =	sld [smem:$0x3F9F];
	_ =	swait.ge [sflag:s4], $0x0  }
0x19: {  	s7 =	sld [smem:$0x3FA0]  }
0x1a: {  	s8 =	sadd.s32 $0xFFFFE003, lr  }
0x1b: {  	s9 =	sadd.s32 $0xFFFFFEF7, lr;
	s5 =	simm.s32 $0xFFFFFFFF;
	p2 =	slt.u32 s8, $0xFFFFF086  }
0x1c: {  	p1 =	slt.u32 s9, $0xF7A;
	s5 =	simm.s32 @!p2 $0x0  }
0x1d: {  	s5 =	simm.s32 @p1 $0x1;
	p0 =	seq.s32 s7, s2  }
0x1e: {  	s7 =	smul.u32 @!p0 $0xF7A, s2;
	p2 =	seq.s32 @!p0 s5, $0x0  }
0x1f: {  	s9 =	smul.u32 $0xF7A, s1;
	s8 =	simm.s32 @!p0 $0x1BF5;
	p2 =	por !p2, p0  }
0x20: {  	[sflag:s8] =	ssyncset.s32 @!p0 $0xFFFFF086;
	s6 =	sadd.s32 @!p0 s3, s7;
	s7 =	simm.s32 @!p0 $0x108  }
0x21: {  	s3 =	sadd.s32 s3, s9;
	s6 =	sadd.s32 @!p0 $0x88, s6;
	s7 =	simm.s32 @p2 $0x1082  }
0x22: {  	[simem:s7], [sflag:s8] =	dma.local @!p0 [hbm:s6], $0xF7A  }
0x23: {  	s9 =	sor.u32 $0xD0000000, s2;
	s6 =	simm.s32 $0x108;
	_ =	swait.ge @!p0 [sflag:s8], $0x0  }
0x24: {  	s3 =	sadd.s32 $0x88, s3;
	s6 =	simm.s32 @!p1 $0x1082;
	[sflag:s4] =	ssyncset.s32 $0xFFFFF086  }
0x25: {  	[simem:s6], [sflag:s4] =	dma.local [hbm:s3], $0xF7A  }
0x26: {  	[smem:$0x3FA0] =	sst s1;
	(tag) =	ssettag s2;
	_ =	strace s9  }
0x27: {  	s1 =	sld [smem:$0x3FB0]  }
0x28: {  	s2 =	sld [smem:$0x3FB1]  }
0x29: {  	s4 =	sld [smem:$0x3FB3]  }
0x2a: {  	p0 =	seq.s32 s5, $0x0;
	s5 =	sld [smem:$0x3FB4]  }
0x2b: {  	s6 =	sld [smem:$0x3FB5]  }
0x2c: {  	s7 =	sld [smem:$0x3FB6]  }
0x2d: {  	s3 =	simm.s32 $0x108;
	s8 =	sld [smem:$0x3FB7]  }
0x2e: {  	s3 =	simm.s32 @!p0 $0x1082;
	s9 =	sld [smem:$0x3FB8]  }
0x2f: {  	lr =	sadd.s32 s0, s3;
	s0 =	sld [smem:$0x3FAF]  }
0x30: {  	s3 =	sld [smem:$0x3FB2]  }
0x31: {  	[smem:$0x3FBB] =	sst s10  }
0x32: {  	s10 =	sld [smem:$0x3FB9];
	_ =	sdelay $0x3  }
0x33: {  	p0 =	seq.s32 s10, $0x1;
	s10 =	sld [smem:$0x3FBB];
	_ =	sdelay $0x3  }
0x34: {  	[smem:$0x3FBB] =	sst s10  }
0x35: {  	s10 =	sld [smem:$0x3FBA];
	_ =	sdelay $0x3  }
0x36: {  	p1 =	seq.s32 s10, $0x1;
	s10 =	sld [smem:$0x3FBB];
	_ =	sdelay $0x3  }
0x37: {  	[smem:$0x3FBB] =	sst s10  }
0x38: {  	s10 =	sld [smem:$0x3FBC]  }
0x39: {  	_ = 	snop;
	(pc) =	sbr.ind lr, $3  }
0x3a: {  	_ = 	snop  }
0x3b: {  	_ = 	snop  }
0x3c: {  	p2 =	seq.s32 s10, $0x1;
	s10 =	sld [smem:$0x3FBB]  }
0x3d: {  	_ =	shalt  }
0x3e: {  	_ =	shalt  }
0x3f: {  	_ =	shalt  }
0x40: {  	_ =	shalt  }
0x41: {  	_ =	shalt  }
0x42: {  	_ =	shalt  }
0x43: {  	_ =	shalt  }
0x44: {  	_ =	shalt  }
0x45: {  	_ =	shalt  }
0x46: {  	_ =	shalt  }
0x47: {  	_ =	shalt  }
0x48: {  	_ =	shalt  }
0x49: {  	_ =	shalt  }
0x4a: {  	_ =	shalt  }
0x4b: {  	_ =	shalt  }
0x4c: {  	_ =	shalt  }
0x4d: {  	_ =	shalt  }
0x4e: {  	_ =	shalt  }
0x4f: {  	_ =	shalt  }
0x50: {  	_ =	shalt  }
0x51: {  	_ =	shalt  }
0x52: {  	_ =	shalt  }
0x53: {  	_ =	shalt  }
0x54: {  	_ =	shalt  }
0x55: {  	_ =	shalt  }
0x56: {  	_ =	shalt  }
0x57: {  	_ =	shalt  }
0x58: {  	_ =	shalt  }
0x59: {  	_ =	shalt  }
0x5a: {  	_ =	shalt  }
0x5b: {  	_ =	shalt  }
0x5c: {  	_ =	shalt  }
0x5d: {  	_ =	shalt  }
0x5e: {  	_ =	shalt  }
0x5f: {  	_ =	shalt  }
0x60: {  	_ =	shalt  }
0x61: {  	_ =	shalt  }
0x62: {  	_ =	shalt  }
0x63: {  	_ =	shalt  }
0x64: {  	_ =	shalt  }
0x65: {  	_ =	shalt  }
0x66: {  	_ =	shalt  }
0x67: {  	_ =	shalt  }
0x68: {  	_ =	shalt  }
0x69: {  	_ =	shalt  }
0x6a: {  	_ =	shalt  }
0x6b: {  	_ =	shalt  }
0x6c: {  	_ =	shalt  }
0x6d: {  	_ =	shalt  }
0x6e: {  	_ =	shalt  }
0x6f: {  	_ =	shalt  }
0x70: {  	_ =	shalt  }
0x71: {  	_ =	shalt  }
0x72: {  	_ =	shalt  }
0x73: {  	_ =	shalt  }
0x74: {  	_ =	shalt  }
0x75: {  	_ =	shalt  }
0x76: {  	_ =	shalt  }
0x77: {  	_ =	shalt  }
0x78: {  	_ =	shalt  }
0x79: {  	_ =	shalt  }
0x7a: {  	_ =	shalt  }
0x7b: {  	_ =	shalt  }
0x7c: {  	_ =	shalt  }
0x7d: {  	_ =	shalt  }
0x7e: {  	_ =	shalt  }
0x7f: {  	_ =	shalt  }
0x80: {  	_ =	shalt  }
0x81: {  	_ =	shalt  }
0x82: {  	_ =	shalt  }
0x83: {  	_ =	shalt  }
0x84: {  	_ =	shalt  }
0x85: {  	_ =	shalt  }
0x86: {  	_ =	shalt  }
0x87: {  	_ =	shalt  }
.Lfunc_end0:
.L_simem_size_0:
called_computation_lowered:
.L_overlay_start_0:
0x88: {  	s2 =	sld [smem:$0x3FD9]  }
0x89: {  	s3 =	sld [smem:$0x3FFE];
	_ =	sdelay $0x1  }
0x8a: {  	s1 =	srdreg.scid  }
0x8b: {  	s0 =	sand.u32 $0x1, s1  }
0x8c: {  	s17 =	sshll.u32 s0, $0xA;
	s2 =	sadd.s32 s3, s2  }
0x8d: {  	s2 =	sadd.s32 s2, s17  }
0x8e: {  	[smem:$0x3FC7] =	sst s2  }
0x8f: {  	_ = 	snop  }
0x90: {  	s2 =	sld [smem:$0x3FC9];
	(tm) =	ssettm $0x1  }
0x91: {  	s18 =	sld [smem:$0x3FFB];
	_ =	sdelay $0x3  }
0x92: {  	_ =	strace s18  }
0x93: {  	s3 =	sld [smem:$0x3FFC];
	_ =	sdelay $0x3  }
0x94: {  	_ =	strace s3  }
0x95: {  	s3 =	sld [smem:$0x3FFD];
	_ =	sdelay $0x3  }
0x96: {  	_ =	strace s3  }
0x97: {  	_ =	strace $0x8FFFFFFF  }
0x98: {  	s19 =	sld [smem:$0x3FDB];
	_ =	sdelay $0x1  }
0x99: {  	s4 =	simm.s32 $_scs_section_size  }
0x9a: {  	s5 =	simm.s32 $_size__tile_overlayer_lowered;
	s6 =	simm.s32 $_tile_overlayer_lowered  }
0x9b: {  	s22 =	simm.s32 $0x1BFF;
	s21 =	sshll.u32 s6, $0x1;
	s3 =	sadd.s32 s4, s19  }
0x9c: {  	s7 =	simm.s32 $0x0;
	s20 =	sshll.u32 s5, $0x1;
	s5 =	sadd.s32 s21, s3  }
0x9d: {  	[timem:s7], [sflag:s22] =	dma.local [hbm:s5], s20  }
0x9e: {  	_ =	swait.ge [sflag:s22], s20  }
0x9f: {  	s4 =	ssub.s32 $0x0, s20;
	[sflag:s22] =	ssyncset.done $0x0  }
0xa0: {  	[sflag:s22] =	ssyncadd.s32 s4;
	_ =	sdelay $0x1  }
0xa1: {  	s23 =	simm.s32 $0x1B8B  }
0xa2: {  	_ =	swait.ge [sflag:s23], $0x1  }
0xa3: {  	[sflag:s23] =	ssyncset.done $0x0  }
0xa4: {  	s25 =	simm.s32 $0x1B8E;
	s24 =	sld [smem:$0x3FFE];
	[sflag:s23] =	ssyncadd.s32 $0xFFFFFFFF  }
0xa5: {  	s26 =	simm.s32 $execute0_lowered;
	[smem:$0x3FD2] =	sst s25  }
0xa6: {  	s5 =	sshll.u32 s26, $0x1;
	_ =	strace $0x80000046;
	[dreg:$0x1] =	wrdreg $0xFFFFFFFF  }
0xa7: {  	s28 =	simm.s32 $_size_execute0_lowered;
	s3 =	sadd.s32 s3, s5;
	[dreg:$0x0] =	wrdreg $0x0  }
0xa8: {  	s5 =	sshll.u32 s28, $0x1;
	[dreg:$0x2] =	wrdreg s3  }
0xa9: {  	[dreg:$0x3] =	wrdreg s5  }
0xaa: {  	[dreg:$0x4] =	wrdreg $0xC0  }
0xab: {  	_ =	task [dreg:s7], $0x5FFFF  }
0xac: {  	[dreg:$0x1] =	wrdreg $0xFFFFFFFF  }
0xad: {  	[dreg:$0x0] =	wrdreg $0x60  }
0xae: {  	[dreg:$0x2] =	wrdreg s2  }
0xaf: {  	[dreg:$0x3] =	wrdreg s24  }
0xb0: {  	[dreg:$0x4] =	wrdreg $0x180000  }
0xb1: {  	[dreg:$0x5] =	wrdreg $0x9  }
0xb2: {  	_ =	task.clear_ibuf [dreg:s7], $0x6FFFF;
	_ =	strace $0x90000046  }
0xb3: {  	s29 =	simm.s32 $0x9;
	_ =	strace $0x80000048  }
0xb4: {  	_ =	swait.ge [sflag:s29], $0x1  }
0xb5: {  	[sflag:s29] =	ssyncadd.s32 $0xFFFFFFFF  }
0xb6: {  	_ =	strace $0x90000048  }
0xb7: {  	_ =	sfence  }
0xb8: {  	s30 =	sld [smem:$0x0];
	_ =	sdelay $0x2  }
0xb9: {  	s31 =	sshll.u32 s1, $0xD;
	s1 =	sshrl.u32 s1, $0x2  }
0xba: {  	s3 =	sand.u32 $0x4000, s31;
	s1 =	sadd.s32 s1, s30  }
0xbb: {  	s0 =	sor.u32 s3, s0;
	s1 =	sshll.u32 s1, $0x11  }
0xbc: {  	s0 =	sor.u32 s1, s0  }
0xbd: {  	s0 =	sadd.s32 $0x8F2B, s0  }
0xbe: {  	[sflag:s0] =	ssyncadd.remote.s32 $0x1  }
0xbf: {  	_ =	sfence.sel $0xFFFF  }
0xc0: {  	[dreg:$0x0] =	wrdreg $0xFFFFFFFF;
	(pc) =	sbr.abs _section_cstart, $3  }
0xc1: {  	[dreg:$0x1] =	wrdreg $0xFFFFFFFF  }
0xc2: {  	_ =	task.clear_ibuf [dreg:s7], $0x2FFFF;
	_ =	strace $0x9FFFFFFF  }
0xc3: {  	(tm) =	ssettm $0x7FFFFFFF  }
tec
execute0_lowered:
.L_overlay_start_1:
0x0: {  	(tag) =	ssettag $0x1  }
0x1: {  	s1 =	rddreg [dreg:$0x0]  }
0x2: {  	s5 =	rddreg [dreg:$0x1]  }
0x3: {  	s3 =	rddreg [dreg:$0x2];
	s4 =	srdreg.scid  }
0x4: {  	s0 =	stileid.u32;
	s14 =	simm.s32 $0x1;
	s15 =	simm.s32 $0x8000  }
0x5: {  	s16 =	simm.s32 $0x2;
	s18 =	simm.s32 $0x1A000;
	s19 =	simm.s32 $0x19000  }
0x6: {  	s20 =	simm.s32 $0x0;
	s6 =	sand.u32 $0x1, s4;
	s4 =	simm.s32 $0x0  }
0x7: {  	s7 =	sshll.u32 s0, $0xC;
	s11 =	sshll.u32 s0, $0x11;
	s8 =	sshll.u32 s6, $0x10  }
0x8: {  	[smem:$0x7FF] =	sst s4;
	s9 =	ssub.s32 $0x2, s6;
	s6 =	sshll.u32 s6, $0x15  }
0x9: {  	s8 =	sor.u32 s7, s8;
	_ =	strace $0x80000047;
	s10 =	sshrl.u32 s9, $0x1  }
0xa: {  	s30 =	sor.u32 s11, s6;
	s6 =	sadd.s32 $0x8000, s7;
	s8 =	sshrl.u32 s8, $0x3  }
0xb: {  	s13 =	ssub.s32 s9, s10;
	s31 =	sshrl.u32 s30, $0x1;
	s9 =	sshll.u32 s30, $0x2  }
0xc: {  	s12 =	sadd.s32 s8, s5;
	s5 =	sadd.s32 s7, s3;
	s7 =	sadd.s32 s1, s31  }
0xd: {  	s8 =	sor.u32 $0x1000, s30;
	s9 =	sor.u32 $0x8000, s9;
	s11 =	smax.u32 s13, $0x1  }
0xe: {  	v0 =	vimm.f32 $0.0e+00;
	v1 =	vlaneseq.u32;
	v2 =	vimm.f32 $1.000000000e+00;
	s13 =	simm.s32 $0x4000;
	s10 =	sadd.s32 $0x600, s12;
	s12 =	simm.s32 $0x3  }
.LBB2_1:
0xf: {  	s21 =	simm.s32 $0x0  }
.LBB2_2:
0x10: {  	s22 =	sshll.u32 s21, $0x7  }
0x11: {  	s22 =	sand.u32 $0x3FFFFF80, s22  }
0x12: {  	[tilespmem:s22+$0x8000] =	vst v0  }
0x13: {  	[tilespmem:s22+$0x8010] =	vst v0  }
0x14: {  	[tilespmem:s22+$0x8020] =	vst v0  }
0x15: {  	[tilespmem:s22+$0x8030] =	vst v0  }
0x16: {  	[tilespmem:s22+$0x8040] =	vst v0  }
0x17: {  	[tilespmem:s22+$0x8050] =	vst v0  }
0x18: {  	[tilespmem:s22+$0x8060] =	vst v0  }
0x19: {  	[tilespmem:s22+$0x8070] =	vst v0  }
0x1a: {  	[tilespmem:s22+$0x8080] =	vst v0  }
0x1b: {  	[tilespmem:s22+$0x8090] =	vst v0  }
0x1c: {  	[tilespmem:s22+$0x80A0] =	vst v0  }
0x1d: {  	[tilespmem:s22+$0x80B0] =	vst v0  }
0x1e: {  	[tilespmem:s22+$0x80C0] =	vst v0  }
0x1f: {  	[tilespmem:s22+$0x80D0] =	vst v0  }
0x20: {  	[tilespmem:s22+$0x80E0] =	vst v0  }
0x21: {  	[tilespmem:s22+$0x80F0] =	vst v0  }
0x22: {  	[tilespmem:s22+$0x8100] =	vst v0  }
0x23: {  	[tilespmem:s22+$0x8110] =	vst v0  }
0x24: {  	[tilespmem:s22+$0x8120] =	vst v0  }
0x25: {  	[tilespmem:s22+$0x8130] =	vst v0  }
0x26: {  	[tilespmem:s22+$0x8140] =	vst v0  }
0x27: {  	[tilespmem:s22+$0x8150] =	vst v0  }
0x28: {  	[tilespmem:s22+$0x8160] =	vst v0  }
0x29: {  	[tilespmem:s22+$0x8170] =	vst v0  }
0x2a: {  	[tilespmem:s22+$0x8180] =	vst v0  }
0x2b: {  	[tilespmem:s22+$0x8190] =	vst v0  }
0x2c: {  	[tilespmem:s22+$0x81A0] =	vst v0  }
0x2d: {  	[tilespmem:s22+$0x81B0] =	vst v0  }
0x2e: {  	[tilespmem:s22+$0x81C0] =	vst v0  }
0x2f: {  	[tilespmem:s22+$0x81D0] =	vst v0  }
0x30: {  	[tilespmem:s22+$0x81E0] =	vst v0  }
0x31: {  	[tilespmem:s22+$0x81F0] =	vst v0  }
0x32: {  	[tilespmem:s22+$0x8200] =	vst v0  }
0x33: {  	[tilespmem:s22+$0x8210] =	vst v0  }
0x34: {  	[tilespmem:s22+$0x8220] =	vst v0  }
0x35: {  	[tilespmem:s22+$0x8230] =	vst v0  }
0x36: {  	[tilespmem:s22+$0x8240] =	vst v0  }
0x37: {  	[tilespmem:s22+$0x8250] =	vst v0  }
0x38: {  	[tilespmem:s22+$0x8260] =	vst v0  }
0x39: {  	[tilespmem:s22+$0x8270] =	vst v0  }
0x3a: {  	[tilespmem:s22+$0x8280] =	vst v0  }
0x3b: {  	[tilespmem:s22+$0x8290] =	vst v0  }
0x3c: {  	[tilespmem:s22+$0x82A0] =	vst v0  }
0x3d: {  	[tilespmem:s22+$0x82B0] =	vst v0  }
0x3e: {  	[tilespmem:s22+$0x82C0] =	vst v0  }
0x3f: {  	[tilespmem:s22+$0x82D0] =	vst v0  }
0x40: {  	[tilespmem:s22+$0x82E0] =	vst v0  }
0x41: {  	[tilespmem:s22+$0x82F0] =	vst v0  }
0x42: {  	[tilespmem:s22+$0x8300] =	vst v0  }
0x43: {  	[tilespmem:s22+$0x8310] =	vst v0  }
0x44: {  	[tilespmem:s22+$0x8320] =	vst v0  }
0x45: {  	[tilespmem:s22+$0x8330] =	vst v0  }
0x46: {  	[tilespmem:s22+$0x8340] =	vst v0  }
0x47: {  	[tilespmem:s22+$0x8350] =	vst v0  }
0x48: {  	[tilespmem:s22+$0x8360] =	vst v0  }
0x49: {  	[tilespmem:s22+$0x8370] =	vst v0  }
0x4a: {  	[tilespmem:s22+$0x8380] =	vst v0  }
0x4b: {  	[tilespmem:s22+$0x8390] =	vst v0  }
0x4c: {  	[tilespmem:s22+$0x83A0] =	vst v0  }
0x4d: {  	[tilespmem:s22+$0x83B0] =	vst v0  }
0x4e: {  	[tilespmem:s22+$0x83C0] =	vst v0  }
0x4f: {  	[tilespmem:s22+$0x83D0] =	vst v0  }
0x50: {  	[tilespmem:s22+$0x83E0] =	vst v0  }
0x51: {  	[tilespmem:s22+$0x83F0] =	vst v0  }
0x52: {  	[tilespmem:s22+$0x8400] =	vst v0  }
0x53: {  	[tilespmem:s22+$0x8410] =	vst v0  }
0x54: {  	[tilespmem:s22+$0x8420] =	vst v0  }
0x55: {  	[tilespmem:s22+$0x8430] =	vst v0  }
0x56: {  	[tilespmem:s22+$0x8440] =	vst v0  }
0x57: {  	[tilespmem:s22+$0x8450] =	vst v0  }
0x58: {  	[tilespmem:s22+$0x8460] =	vst v0  }
0x59: {  	[tilespmem:s22+$0x8470] =	vst v0  }
0x5a: {  	[tilespmem:s22+$0x8480] =	vst v0  }
0x5b: {  	[tilespmem:s22+$0x8490] =	vst v0  }
0x5c: {  	[tilespmem:s22+$0x84A0] =	vst v0  }
0x5d: {  	[tilespmem:s22+$0x84B0] =	vst v0  }
0x5e: {  	[tilespmem:s22+$0x84C0] =	vst v0  }
0x5f: {  	[tilespmem:s22+$0x84D0] =	vst v0  }
0x60: {  	[tilespmem:s22+$0x84E0] =	vst v0  }
0x61: {  	[tilespmem:s22+$0x84F0] =	vst v0  }
0x62: {  	[tilespmem:s22+$0x8500] =	vst v0  }
0x63: {  	[tilespmem:s22+$0x8510] =	vst v0  }
0x64: {  	[tilespmem:s22+$0x8520] =	vst v0  }
0x65: {  	[tilespmem:s22+$0x8530] =	vst v0  }
0x66: {  	[tilespmem:s22+$0x8540] =	vst v0  }
0x67: {  	[tilespmem:s22+$0x8550] =	vst v0  }
0x68: {  	[tilespmem:s22+$0x8560] =	vst v0  }
0x69: {  	[tilespmem:s22+$0x8570] =	vst v0  }
0x6a: {  	[tilespmem:s22+$0x8580] =	vst v0  }
0x6b: {  	[tilespmem:s22+$0x8590] =	vst v0  }
0x6c: {  	[tilespmem:s22+$0x85A0] =	vst v0  }
0x6d: {  	[tilespmem:s22+$0x85B0] =	vst v0  }
0x6e: {  	[tilespmem:s22+$0x85C0] =	vst v0  }
0x6f: {  	[tilespmem:s22+$0x85D0] =	vst v0  }
0x70: {  	[tilespmem:s22+$0x85E0] =	vst v0  }
0x71: {  	[tilespmem:s22+$0x85F0] =	vst v0  }
0x72: {  	[tilespmem:s22+$0x8600] =	vst v0  }
0x73: {  	[tilespmem:s22+$0x8610] =	vst v0  }
0x74: {  	[tilespmem:s22+$0x8620] =	vst v0  }
0x75: {  	[tilespmem:s22+$0x8630] =	vst v0  }
0x76: {  	[tilespmem:s22+$0x8640] =	vst v0  }
0x77: {  	[tilespmem:s22+$0x8650] =	vst v0  }
0x78: {  	[tilespmem:s22+$0x8660] =	vst v0  }
0x79: {  	[tilespmem:s22+$0x8670] =	vst v0  }
0x7a: {  	[tilespmem:s22+$0x8680] =	vst v0  }
0x7b: {  	[tilespmem:s22+$0x8690] =	vst v0  }
0x7c: {  	[tilespmem:s22+$0x86A0] =	vst v0  }
0x7d: {  	[tilespmem:s22+$0x86B0] =	vst v0  }
0x7e: {  	[tilespmem:s22+$0x86C0] =	vst v0  }
0x7f: {  	[tilespmem:s22+$0x86D0] =	vst v0  }
0x80: {  	[tilespmem:s22+$0x86E0] =	vst v0  }
0x81: {  	[tilespmem:s22+$0x86F0] =	vst v0  }
0x82: {  	[tilespmem:s22+$0x8700] =	vst v0  }
0x83: {  	[tilespmem:s22+$0x8710] =	vst v0  }
0x84: {  	[tilespmem:s22+$0x8720] =	vst v0  }
0x85: {  	[tilespmem:s22+$0x8730] =	vst v0  }
0x86: {  	[tilespmem:s22+$0x8740] =	vst v0  }
0x87: {  	[tilespmem:s22+$0x8750] =	vst v0  }
0x88: {  	[tilespmem:s22+$0x8760] =	vst v0  }
0x89: {  	[tilespmem:s22+$0x8770] =	vst v0  }
0x8a: {  	[tilespmem:s22+$0x8780] =	vst v0  }
0x8b: {  	[tilespmem:s22+$0x8790] =	vst v0  }
0x8c: {  	[tilespmem:s22+$0x87A0] =	vst v0  }
0x8d: {  	[tilespmem:s22+$0x87B0] =	vst v0  }
0x8e: {  	[tilespmem:s22+$0x87C0] =	vst v0  }
0x8f: {  	[tilespmem:s22+$0x87D0] =	vst v0  }
0x90: {  	s23 =	sor.u32 $0x10, s21;
	[tilespmem:s22+$0x87E0] =	vst v0  }
0x91: {  	v3 =	vor.u32 s21, v1;
	s24 =	sshll.u32 s23, $0x7;
	[tilespmem:s22+$0x87F0] =	vst v0  }
0x92: {  	s24 =	sand.u32 $0x3FFFFF80, s24;
	[tilespmem:s21+$0x1A000] =	vst v3  }
0x93: {  	[tilespmem:s24+$0x8000] =	vst v0  }
0x94: {  	[tilespmem:s24+$0x8010] =	vst v0  }
0x95: {  	[tilespmem:s24+$0x8020] =	vst v0  }
0x96: {  	[tilespmem:s24+$0x8030] =	vst v0  }
0x97: {  	[tilespmem:s24+$0x8040] =	vst v0  }
0x98: {  	[tilespmem:s24+$0x8050] =	vst v0  }
0x99: {  	[tilespmem:s24+$0x8060] =	vst v0  }
0x9a: {  	[tilespmem:s24+$0x8070] =	vst v0  }
0x9b: {  	[tilespmem:s22+$0x8880] =	vst v0  }
0x9c: {  	[tilespmem:s22+$0x8890] =	vst v0  }
0x9d: {  	[tilespmem:s22+$0x88A0] =	vst v0  }
0x9e: {  	[tilespmem:s22+$0x88B0] =	vst v0  }
0x9f: {  	[tilespmem:s22+$0x88C0] =	vst v0  }
0xa0: {  	[tilespmem:s22+$0x88D0] =	vst v0  }
0xa1: {  	[tilespmem:s22+$0x88E0] =	vst v0  }
0xa2: {  	[tilespmem:s22+$0x88F0] =	vst v0  }
0xa3: {  	[tilespmem:s22+$0x8900] =	vst v0  }
0xa4: {  	[tilespmem:s22+$0x8910] =	vst v0  }
0xa5: {  	[tilespmem:s22+$0x8920] =	vst v0  }
0xa6: {  	[tilespmem:s22+$0x8930] =	vst v0  }
0xa7: {  	[tilespmem:s22+$0x8940] =	vst v0  }
0xa8: {  	[tilespmem:s22+$0x8950] =	vst v0  }
0xa9: {  	[tilespmem:s22+$0x8960] =	vst v0  }
0xaa: {  	[tilespmem:s22+$0x8970] =	vst v0  }
0xab: {  	[tilespmem:s22+$0x8980] =	vst v0  }
0xac: {  	[tilespmem:s22+$0x8990] =	vst v0  }
0xad: {  	[tilespmem:s22+$0x89A0] =	vst v0  }
0xae: {  	[tilespmem:s22+$0x89B0] =	vst v0  }
0xaf: {  	[tilespmem:s22+$0x89C0] =	vst v0  }
0xb0: {  	[tilespmem:s22+$0x89D0] =	vst v0  }
0xb1: {  	[tilespmem:s22+$0x89E0] =	vst v0  }
0xb2: {  	[tilespmem:s22+$0x89F0] =	vst v0  }
0xb3: {  	[tilespmem:s22+$0x8A00] =	vst v0  }
0xb4: {  	[tilespmem:s22+$0x8A10] =	vst v0  }
0xb5: {  	[tilespmem:s22+$0x8A20] =	vst v0  }
0xb6: {  	[tilespmem:s22+$0x8A30] =	vst v0  }
0xb7: {  	[tilespmem:s22+$0x8A40] =	vst v0  }
0xb8: {  	[tilespmem:s22+$0x8A50] =	vst v0  }
0xb9: {  	[tilespmem:s22+$0x8A60] =	vst v0  }
0xba: {  	[tilespmem:s22+$0x8A70] =	vst v0  }
0xbb: {  	[tilespmem:s22+$0x8A80] =	vst v0  }
0xbc: {  	[tilespmem:s22+$0x8A90] =	vst v0  }
0xbd: {  	[tilespmem:s22+$0x8AA0] =	vst v0  }
0xbe: {  	[tilespmem:s22+$0x8AB0] =	vst v0  }
0xbf: {  	[tilespmem:s22+$0x8AC0] =	vst v0  }
0xc0: {  	[tilespmem:s22+$0x8AD0] =	vst v0  }
0xc1: {  	[tilespmem:s22+$0x8AE0] =	vst v0  }
0xc2: {  	[tilespmem:s22+$0x8AF0] =	vst v0  }
0xc3: {  	[tilespmem:s22+$0x8B00] =	vst v0  }
0xc4: {  	[tilespmem:s22+$0x8B10] =	vst v0  }
0xc5: {  	[tilespmem:s22+$0x8B20] =	vst v0  }
0xc6: {  	[tilespmem:s22+$0x8B30] =	vst v0  }
0xc7: {  	[tilespmem:s22+$0x8B40] =	vst v0  }
0xc8: {  	[tilespmem:s22+$0x8B50] =	vst v0  }
0xc9: {  	[tilespmem:s22+$0x8B60] =	vst v0  }
0xca: {  	[tilespmem:s22+$0x8B70] =	vst v0  }
0xcb: {  	[tilespmem:s22+$0x8B80] =	vst v0  }
0xcc: {  	[tilespmem:s22+$0x8B90] =	vst v0  }
0xcd: {  	[tilespmem:s22+$0x8BA0] =	vst v0  }
0xce: {  	[tilespmem:s22+$0x8BB0] =	vst v0  }
0xcf: {  	[tilespmem:s22+$0x8BC0] =	vst v0  }
0xd0: {  	[tilespmem:s22+$0x8BD0] =	vst v0  }
0xd1: {  	[tilespmem:s22+$0x8BE0] =	vst v0  }
0xd2: {  	[tilespmem:s22+$0x8BF0] =	vst v0  }
0xd3: {  	[tilespmem:s22+$0x8C00] =	vst v0  }
0xd4: {  	[tilespmem:s22+$0x8C10] =	vst v0  }
0xd5: {  	[tilespmem:s22+$0x8C20] =	vst v0  }
0xd6: {  	[tilespmem:s22+$0x8C30] =	vst v0  }
0xd7: {  	[tilespmem:s22+$0x8C40] =	vst v0  }
0xd8: {  	[tilespmem:s22+$0x8C50] =	vst v0  }
0xd9: {  	[tilespmem:s22+$0x8C60] =	vst v0  }
0xda: {  	[tilespmem:s22+$0x8C70] =	vst v0  }
0xdb: {  	[tilespmem:s22+$0x8C80] =	vst v0  }
0xdc: {  	[tilespmem:s22+$0x8C90] =	vst v0  }
0xdd: {  	[tilespmem:s22+$0x8CA0] =	vst v0  }
0xde: {  	[tilespmem:s22+$0x8CB0] =	vst v0  }
0xdf: {  	[tilespmem:s22+$0x8CC0] =	vst v0  }
0xe0: {  	[tilespmem:s22+$0x8CD0] =	vst v0  }
0xe1: {  	[tilespmem:s22+$0x8CE0] =	vst v0  }
0xe2: {  	[tilespmem:s22+$0x8CF0] =	vst v0  }
0xe3: {  	[tilespmem:s22+$0x8D00] =	vst v0  }
0xe4: {  	[tilespmem:s22+$0x8D10] =	vst v0  }
0xe5: {  	[tilespmem:s22+$0x8D20] =	vst v0  }
0xe6: {  	[tilespmem:s22+$0x8D30] =	vst v0  }
0xe7: {  	[tilespmem:s22+$0x8D40] =	vst v0  }
0xe8: {  	[tilespmem:s22+$0x8D50] =	vst v0  }
0xe9: {  	[tilespmem:s22+$0x8D60] =	vst v0  }
0xea: {  	[tilespmem:s22+$0x8D70] =	vst v0  }
0xeb: {  	[tilespmem:s22+$0x8D80] =	vst v0  }
0xec: {  	[tilespmem:s22+$0x8D90] =	vst v0  }
0xed: {  	[tilespmem:s22+$0x8DA0] =	vst v0  }
0xee: {  	[tilespmem:s22+$0x8DB0] =	vst v0  }
0xef: {  	[tilespmem:s22+$0x8DC0] =	vst v0  }
0xf0: {  	[tilespmem:s22+$0x8DD0] =	vst v0  }
0xf1: {  	[tilespmem:s22+$0x8DE0] =	vst v0  }
0xf2: {  	[tilespmem:s22+$0x8DF0] =	vst v0  }
0xf3: {  	[tilespmem:s22+$0x8E00] =	vst v0  }
0xf4: {  	[tilespmem:s22+$0x8E10] =	vst v0  }
0xf5: {  	[tilespmem:s22+$0x8E20] =	vst v0  }
0xf6: {  	[tilespmem:s22+$0x8E30] =	vst v0  }
0xf7: {  	[tilespmem:s22+$0x8E40] =	vst v0  }
0xf8: {  	[tilespmem:s22+$0x8E50] =	vst v0  }
0xf9: {  	[tilespmem:s22+$0x8E60] =	vst v0  }
0xfa: {  	[tilespmem:s22+$0x8E70] =	vst v0  }
0xfb: {  	[tilespmem:s22+$0x8E80] =	vst v0  }
0xfc: {  	[tilespmem:s22+$0x8E90] =	vst v0  }
0xfd: {  	[tilespmem:s22+$0x8EA0] =	vst v0  }
0xfe: {  	[tilespmem:s22+$0x8EB0] =	vst v0  }
0xff: {  	[tilespmem:s22+$0x8EC0] =	vst v0  }
0x100: {  	[tilespmem:s22+$0x8ED0] =	vst v0  }
0x101: {  	[tilespmem:s22+$0x8EE0] =	vst v0  }
0x102: {  	[tilespmem:s22+$0x8EF0] =	vst v0  }
0x103: {  	[tilespmem:s22+$0x8F00] =	vst v0  }
0x104: {  	[tilespmem:s22+$0x8F10] =	vst v0  }
0x105: {  	[tilespmem:s22+$0x8F20] =	vst v0  }
0x106: {  	[tilespmem:s22+$0x8F30] =	vst v0  }
0x107: {  	[tilespmem:s22+$0x8F40] =	vst v0  }
0x108: {  	[tilespmem:s22+$0x8F50] =	vst v0  }
0x109: {  	[tilespmem:s22+$0x8F60] =	vst v0  }
0x10a: {  	[tilespmem:s22+$0x8F70] =	vst v0  }
0x10b: {  	[tilespmem:s22+$0x8F80] =	vst v0  }
0x10c: {  	[tilespmem:s22+$0x8F90] =	vst v0  }
0x10d: {  	[tilespmem:s22+$0x8FA0] =	vst v0  }
0x10e: {  	p0 =	slt.u32 s21, $0x1E0;
	[tilespmem:s22+$0x8FB0] =	vst v0  }
.Ltmp0:
0x10f: {  	[tilespmem:s22+$0x8FC0] =	vst v0;
	(pc) =	sbr.rel @p0 .LBB2_2-.Ltmp0, $4  }
0x110: {  	[tilespmem:s22+$0x8FD0] =	vst v0  }
0x111: {  	[tilespmem:s22+$0x8FE0] =	vst v0  }
0x112: {  	s31 =	sadd.s32 $0x20, s21;
	v3 =	vor.u32 s23, v1;
	[tilespmem:s22+$0x8FF0] =	vst v0  }
0x113: {  	[tilespmem:s21+$0x1A010] =	vst v3;
	s21 =	smov.u32 s31  }
0x114: {  	[spmem:s5] =	stream.linear.scatter [tilespmem:s6], [sflag:$0x3], $0x1000, $0x38;
	[tilespmem:$0x1A200] =	vst v63  }
0x115: {  	_ =	swait.ge [sflag:s12], $0x1000  }
0x116: {  	[sflag:s12] =	ssyncset.done $0x0  }
0x117: {  	s21 =	simm.s32 $0x0;
	s22 =	simm.s32 $0x0;
	[sflag:s12] =	ssyncadd.s32 $0xFFFFF000  }
0x118: {  	[tilespmem:s21], [sflag:$0x1] =	stream.linear.gather [hbm4b:s7+s21], $0x4000, $0x38;
	[tilespmem:$0x1A200] =	vst v63  }
.LBB2_4:
0x119: {  	s23 =	sshll.u32 s22, $0xD  }
0x11a: {  	s23 =	sadd.s32 s8, s23  }
0x11b: {  	p0 =	por $0x0, $0x0;
	s23 =	sshrl.u32 s23, $0x1  }
0x11c: {  	s24 =	simm.s32 $0x1;
	s26 =	sand.u32 $0x3E00, s21;
	s23 =	sadd.s32 s1, s23  }
0x11d: {  	[tilespmem:s13], [sflag:$0x2] =	stream.linear.gather [hbm4b:s23+s21], $0x4000, $0x38;
	[tilespmem:$0x1A200] =	vst v63  }
0x11e: {  	s24 =	simm.s32 @!p0 $0x0;
	s23 =	simm.s32 $0x0;
	_ =	swait.ge [sflag:s14], $0x4000  }
0x11f: {  	s24 =	sshll.u32 s24, $0x6;
	s25 =	sand.u32 $0x40, s23;
	[sflag:s14] =	ssyncset.done $0x0  }
0x120: {  	s24 =	sadd.s32 $0x0, s24;
	s25 =	sor.u32 s25, s26;
	[sflag:s14] =	ssyncadd.s32 $0xFFFFC000  }
0x121: {  	s30 =	sadd.s32 $0x30, s24;
	v3 =	vld [tilespmem:s25+$0x30]  }
0x122: {  	s28 =	sor.u32 $0x100, s30;
	v4 =	vld [tilespmem:s25+$0xB0]  }
0x123: {  	s26 =	sor.u32 $0x180, s30;
	v5 =	vld [tilespmem:s28+$0x0]  }
0x124: {  	v6 =	vld [tilespmem:s26+$0x0]  }
0x125: {  	v8 =	vld [tilespmem:s25+$0x80]  }
0x126: {  	v9 =	vld [tilespmem:s25+$0x10]  }
0x127: {  	v10 =	vld [tilespmem:s25+$0x90]  }
0x128: {  	v11 =	vld [tilespmem:s25+$0x20]  }
0x129: {  	v12 =	vld [tilespmem:s25+$0xA0];
	v3 =	vmul.f32 $2.666666750e+00, v3;
	v4 =	vmul.f32 $2.666666750e+00, v4  }
0x12a: {  	v7 =	vld [tilespmem:s25+$0x0];
	v5 =	vmul.f32 $2.666666750e+00, v5;
	v6 =	vmul.f32 $2.666666750e+00, v6  }
0x12b: {  	v8 =	vmul.f32 $2.666666750e+00, v8;
	v9 =	vmul.f32 $2.666666750e+00, v9  }
0x12c: {  	v10 =	vmul.f32 $2.666666750e+00, v10;
	v3 =	vadd.f32 $8.000000000e+00, v3;
	v4 =	vadd.f32 $8.000000000e+00, v4  }
0x12d: {  	v11 =	vmul.f32 $2.666666750e+00, v11;
	v5 =	vadd.f32 $8.000000000e+00, v5;
	v6 =	vadd.f32 $8.000000000e+00, v6  }
0x12e: {  	v12 =	vmul.f32 $2.666666750e+00, v12;
	v8 =	vadd.f32 $8.000000000e+00, v8;
	v9 =	vadd.f32 $8.000000000e+00, v9  }
0x12f: {  	v7 =	vmul.f32 $2.666666750e+00, v7;
	v10 =	vadd.f32 $8.000000000e+00, v10;
	v11 =	vadd.f32 $8.000000000e+00, v11  }
0x130: {  	v12 =	vadd.f32 $8.000000000e+00, v12;
	v3 =	vmax.f32 v3, $0.0e+00;
	v4 =	vmax.f32 v4, $0.0e+00  }
0x131: {  	v5 =	vmax.f32 v5, $0.0e+00;
	v6 =	vmax.f32 v6, $0.0e+00;
	v8 =	vmax.f32 v8, $0.0e+00  }
0x132: {  	v9 =	vmax.f32 v9, $0.0e+00;
	v10 =	vmax.f32 v10, $0.0e+00;
	v11 =	vmax.f32 v11, $0.0e+00  }
0x133: {  	s31 =	sadd.s32 $0x10, s24;
	v12 =	vmax.f32 v12, $0.0e+00;
	v3 =	vmin.f32 v3, $1.500000000e+01;
	v4 =	vmin.f32 v4, $1.500000000e+01  }
0x134: {  	s0 =	sadd.s32 $0x20, s24;
	s29 =	sor.u32 $0x100, s31;
	v5 =	vmin.f32 v5, $1.500000000e+01;
	v6 =	vmin.f32 v6, $1.500000000e+01;
	v3 =	vtrunc.f32 v3  }
0x135: {  	s2 =	sor.u32 $0x100, s0;
	v13 =	vld [tilespmem:s29+$0x0];
	v8 =	vmin.f32 v8, $1.500000000e+01;
	v4 =	vtrunc.f32 v4;
	v5 =	vtrunc.f32 v5  }
0x136: {  	s17 =	sor.u32 $0x100, s24;
	v14 =	vld [tilespmem:s2+$0x0];
	v9 =	vmin.f32 v9, $1.500000000e+01;
	v3 =	vcvt.f32.s32 v3;
	v4 =	vcvt.f32.s32 v4  }
0x137: {  	s30 =	sor.u32 $0x180, s31;
	v15 =	vld [tilespmem:s17+$0x0];
	v10 =	vmin.f32 v10, $1.500000000e+01;
	v11 =	vmin.f32 v11, $1.500000000e+01;
	v5 =	vcvt.f32.s32 v5  }
0x138: {  	v16 =	vld [tilespmem:s30+$0x0];
	v6 =	vtrunc.f32 v6;
	v3 =	vshll.u32 v3, $0xC;
	v4 =	vshll.u32 v4, $0x8  }
0x139: {  	s31 =	sor.u32 $0x180, s0;
	v6 =	vcvt.f32.s32 v6;
	v5 =	vshll.u32 v5, $0x4;
	v3 =	vadd.s32 v3, v4  }
0x13a: {  	s24 =	sor.u32 $0x180, s24;
	v12 =	vmin.f32 v12, $1.500000000e+01;
	v18 =	vtrunc.f32 v8;
	v4 =	vld [tilespmem:s31+$0x0];
	v3 =	vadd.s32 v5, v3  }
0x13b: {  	v19 =	vtrunc.f32 v9;
	v5 =	vld [tilespmem:s24+$0x0];
	v17 =	vadd.s32 v6, v3;
	v6 =	vmul.f32 $2.666666750e+00, v13  }
0x13c: {  	v3 =	vadd.f32 $8.000000000e+00, v7;
	v7 =	vmul.f32 $2.666666750e+00, v14;
	v13 =	vmul.f32 $2.666666750e+00, v15  }
0x13d: {  	v8 =	vtrunc.f32 v10;
	v14 =	vmul.f32 $2.666666750e+00, v16;
	v6 =	vadd.f32 $8.000000000e+00, v6  }
0x13e: {  	v10 =	vtrunc.f32 v11;
	v13 =	vadd.f32 $8.000000000e+00, v13;
	v7 =	vadd.f32 $8.000000000e+00, v7  }
0x13f: {  	v3 =	vmax.f32 v3, $0.0e+00;
	v14 =	vadd.f32 $8.000000000e+00, v14;
	v4 =	vmul.f32 $2.666666750e+00, v4  }
0x140: {  	v3 =	vmin.f32 v3, $1.500000000e+01;
	v5 =	vmul.f32 $2.666666750e+00, v5;
	v6 =	vmax.f32 v6, $0.0e+00  }
0x141: {  	v7 =	vmax.f32 v7, $0.0e+00;
	v13 =	vmax.f32 v13, $0.0e+00;
	v63 =	vtrunc.f32 v3  }
0x142: {  	v3 =	vmax.f32 v14, $0.0e+00;
	v6 =	vmin.f32 v6, $1.500000000e+01;
	v4 =	vadd.f32 $8.000000000e+00, v4  }
0x143: {  	v15 =	vmin.f32 v13, $1.500000000e+01;
	v13 =	vmin.f32 v7, $1.500000000e+01;
	v7 =	vtrunc.f32 v12  }
0x144: {  	v14 =	vcvt.f32.s32 v63;
	v12 =	vcvt.f32.s32 v19;
	v5 =	vadd.f32 $8.000000000e+00, v5  }
0x145: {  	v3 =	vmin.f32 v3, $1.500000000e+01;
	v9 =	vtrunc.f32 v6;
	v6 =	vtrunc.f32 v13  }
0x146: {  	v13 =	vcvt.f32.s32 v18;
	v4 =	vmax.f32 v4, $0.0e+00;
	v20 =	vmax.f32 v5, $0.0e+00  }
0x147: {  	p0 =	por !p0, !p0;
	s24 =	simm.s32 $0x0;
	[tilespmem:v17+s15+$0x0] =	vst.idx.add.f32.msk $0xffff, v2;
	v11 =	vtrunc.f32 v15;
	v5 =	vmin.f32 v4, $1.500000000e+01;
	v4 =	vmin.f32 v20, $1.500000000e+01  }
.LBB2_5:
0x148: {  	s25 =	simm.s32 $0x1  }
0x149: {  	s23 =	sadd.s32 $0x40, s23;
	v14 =	vshll.u32 v14, $0xC;
	v8 =	vcvt.f32.s32 v8;
	v10 =	vcvt.f32.s32 v10;
	s24 =	sadd.s32 $0x100, s24;
	s25 =	simm.s32 @!p0 $0x0  }
0x14a: {  	v13 =	vshll.u32 v13, $0x8;
	v9 =	vcvt.f32.s32 v9;
	v7 =	vcvt.f32.s32 v7;
	s26 =	sand.u32 $0x40, s23;
	s28 =	sand.u32 $0x3E00, s24;
	s25 =	sshll.u32 s25, $0x6  }
0x14b: {  	v11 =	vcvt.f32.s32 v11;
	v6 =	vcvt.f32.s32 v6;
	p1 =	slt.u32 s23, $0xFC0;
	v12 =	vshll.u32 v12, $0xC;
	s29 =	sadd.s32 s25, s24;
	s25 =	sor.u32 s26, s28  }
0x14c: {  	v8 =	vshll.u32 v8, $0x8;
	v10 =	vshll.u32 v10, $0xC;
	v7 =	vshll.u32 v7, $0x8;
	s26 =	sadd.s32 $0x10, s29;
	s28 =	sadd.s32 $0x20, s29;
	v15 =	vld [tilespmem:s25+$0x30];
	s30 =	sadd.s32 $0x30, s29  }
0x14d: {  	v3 =	vtrunc.f32 v3;
	v5 =	vtrunc.f32 v5;
	v9 =	vshll.u32 v9, $0x4;
	s31 =	sor.u32 $0x100, s26;
	s0 =	sor.u32 $0x100, s28;
	v16 =	vld [tilespmem:s25+$0xB0];
	s2 =	sor.u32 $0x100, s30  }
0x14e: {  	v4 =	vtrunc.f32 v4;
	v11 =	vshll.u32 v11, $0x4;
	v6 =	vshll.u32 v6, $0x4;
	s17 =	sor.u32 $0x100, s29;
	s26 =	sor.u32 $0x180, s26;
	v17 =	vld [tilespmem:s2+$0x0];
	s2 =	sor.u32 $0x180, s30  }
0x14f: {  	v13 =	vadd.s32 v14, v13;
	v8 =	vadd.s32 v12, v8;
	v7 =	vadd.s32 v10, v7;
	s29 =	sor.u32 $0x180, s29;
	s28 =	sor.u32 $0x180, s28;
	v18 =	vld [tilespmem:s2+$0x0]  }
0x150: {  	v3 =	vcvt.f32.s32 v3;
	v5 =	vcvt.f32.s32 v5;
	v8 =	vadd.s32 v9, v8;
	v10 =	vld [tilespmem:s25+$0x0]  }
0x151: {  	v4 =	vcvt.f32.s32 v4;
	v6 =	vadd.s32 v6, v7;
	v9 =	vld [tilespmem:s25+$0x80];
	v12 =	vmul.f32 $2.666666750e+00, v15  }
0x152: {  	v11 =	vadd.s32 v11, v13;
	v3 =	vadd.s32 v3, v8;
	v7 =	vld [tilespmem:s25+$0x10];
	v14 =	vmul.f32 $2.666666750e+00, v16  }
0x153: {  	v5 =	vadd.s32 v5, v6;
	v8 =	vld [tilespmem:s25+$0x90];
	v12 =	vadd.f32 $8.000000000e+00, v12;
	v13 =	vmul.f32 $2.666666750e+00, v17  }
0x154: {  	v4 =	vadd.s32 v4, v11;
	v6 =	vld [tilespmem:s25+$0x20];
	v14 =	vadd.f32 $8.000000000e+00, v14;
	v15 =	vmul.f32 $2.666666750e+00, v18  }
0x155: {  	v10 =	vmul.f32 $2.666666750e+00, v10;
	v11 =	vld [tilespmem:s25+$0xA0];
	v13 =	vadd.f32 $8.000000000e+00, v13;
	v12 =	vmax.f32 v12, $0.0e+00  }
0x156: {  	v16 =	vld [tilespmem:s31+$0x0];
	v15 =	vadd.f32 $8.000000000e+00, v15;
	v12 =	vmin.f32 v12, $1.500000000e+01;
	v14 =	vmax.f32 v14, $0.0e+00  }
0x157: {  	v17 =	vld [tilespmem:s0+$0x0];
	v14 =	vmin.f32 v14, $1.500000000e+01;
	v13 =	vmax.f32 v13, $0.0e+00;
	v12 =	vtrunc.f32 v12  }
0x158: {  	v18 =	vld [tilespmem:s17+$0x0];
	v13 =	vmin.f32 v13, $1.500000000e+01;
	v12 =	vcvt.f32.s32 v12;
	v14 =	vtrunc.f32 v14  }
0x159: {  	v15 =	vmax.f32 v15, $0.0e+00;
	v19 =	vld [tilespmem:s26+$0x0];
	v14 =	vcvt.f32.s32 v14;
	v13 =	vtrunc.f32 v13  }
0x15a: {  	v9 =	vmul.f32 $2.666666750e+00, v9;
	v15 =	vmin.f32 v15, $1.500000000e+01;
	v20 =	vld [tilespmem:s28+$0x0];
	v13 =	vcvt.f32.s32 v13  }
0x15b: {  	v15 =	vtrunc.f32 v15;
	v12 =	vshll.u32 v12, $0xC;
	v21 =	vld [tilespmem:s29+$0x0];
	v14 =	vshll.u32 v14, $0x8  }
0x15c: {  	v15 =	vcvt.f32.s32 v15;
	v13 =	vshll.u32 v13, $0x4;
	v12 =	vadd.s32 v12, v14;
	[tilespmem:v3+s15+$0x0] =	vst.idx.add.f32.msk $0xffff, v2  }
0x15d: {  	v3 =	vmul.f32 $2.666666750e+00, v7;
	v7 =	vmul.f32 $2.666666750e+00, v8;
	v8 =	vadd.s32 v13, v12;
	[tilespmem:v5+s15+$0x0] =	vst.idx.add.f32.msk $0xffff, v2  }
0x15e: {  	v5 =	vmul.f32 $2.666666750e+00, v6;
	v6 =	vmul.f32 $2.666666750e+00, v11;
	v8 =	vadd.s32 v15, v8;
	[tilespmem:v4+s15+$0x0] =	vst.idx.add.f32.msk $0xffff, v2  }
0x15f: {  	v11 =	vmul.f32 $2.666666750e+00, v17;
	v4 =	vadd.f32 $8.000000000e+00, v10;
	v10 =	vmul.f32 $2.666666750e+00, v16  }
0x160: {  	v9 =	vadd.f32 $8.000000000e+00, v9;
	v12 =	vmul.f32 $2.666666750e+00, v18;
	v3 =	vadd.f32 $8.000000000e+00, v3  }
0x161: {  	v7 =	vadd.f32 $8.000000000e+00, v7;
	v13 =	vmul.f32 $2.666666750e+00, v19;
	v5 =	vadd.f32 $8.000000000e+00, v5  }
0x162: {  	v6 =	vadd.f32 $8.000000000e+00, v6;
	v14 =	vmul.f32 $2.666666750e+00, v20;
	v10 =	vadd.f32 $8.000000000e+00, v10  }
0x163: {  	v12 =	vadd.f32 $8.000000000e+00, v12;
	v11 =	vadd.f32 $8.000000000e+00, v11;
	v15 =	vmul.f32 $2.666666750e+00, v21;
	[tilespmem:v8+s15+$0x0] =	vst.idx.add.f32.msk $0xffff, v2  }
0x164: {  	v4 =	vmax.f32 v4, $0.0e+00;
	v3 =	vmax.f32 v3, $0.0e+00;
	v8 =	vmax.f32 v9, $0.0e+00  }
0x165: {  	v7 =	vmax.f32 v7, $0.0e+00;
	v5 =	vmax.f32 v5, $0.0e+00;
	v6 =	vmax.f32 v6, $0.0e+00  }
0x166: {  	v4 =	vmin.f32 v4, $1.500000000e+01;
	v9 =	vmax.f32 v10, $0.0e+00;
	v10 =	vmax.f32 v11, $0.0e+00  }
0x167: {  	v3 =	vmin.f32 v3, $1.500000000e+01;
	v11 =	vmax.f32 v12, $0.0e+00;
	v8 =	vmin.f32 v8, $1.500000000e+01  }
0x168: {  	v7 =	vmin.f32 v7, $1.500000000e+01;
	v5 =	vmin.f32 v5, $1.500000000e+01;
	v6 =	vmin.f32 v6, $1.500000000e+01  }
0x169: {  	v12 =	vadd.f32 $8.000000000e+00, v13;
	v13 =	vadd.f32 $8.000000000e+00, v14;
	v9 =	vmin.f32 v9, $1.500000000e+01  }
0x16a: {  	v14 =	vadd.f32 $8.000000000e+00, v15;
	v11 =	vmin.f32 v11, $1.500000000e+01;
	v15 =	vmin.f32 v10, $1.500000000e+01  }
0x16b: {  	v4 =	vtrunc.f32 v4;
	v16 =	vtrunc.f32 v8;
	v12 =	vmax.f32 v12, $0.0e+00  }
.Ltmp1:
0x16c: {  	v17 =	vtrunc.f32 v3;
	v8 =	vtrunc.f32 v7;
	v18 =	vmax.f32 v13, $0.0e+00;
	(pc) =	sbr.rel @p1 .LBB2_5-.Ltmp1, $4  }
0x16d: {  	v10 =	vtrunc.f32 v5;
	v19 =	vmax.f32 v14, $0.0e+00;
	v7 =	vtrunc.f32 v6  }
0x16e: {  	v9 =	vtrunc.f32 v9;
	v6 =	vtrunc.f32 v15;
	v3 =	vmin.f32 v12, $1.500000000e+01  }
0x16f: {  	v14 =	vcvt.f32.s32 v4;
	v13 =	vcvt.f32.s32 v16;
	v5 =	vmin.f32 v18, $1.500000000e+01  }
0x170: {  	p0 =	por !p0, !p0;
	v11 =	vtrunc.f32 v11;
	v4 =	vmin.f32 v19, $1.500000000e+01;
	v12 =	vcvt.f32.s32 v17  }
0x171: {  	v8 =	vcvt.f32.s32 v8  }
0x172: {  	v10 =	vcvt.f32.s32 v10;
	v9 =	vcvt.f32.s32 v9  }
0x173: {  	v14 =	vshll.u32 v14, $0xC;
	v7 =	vcvt.f32.s32 v7;
	v11 =	vcvt.f32.s32 v11  }
0x174: {  	v13 =	vshll.u32 v13, $0x8;
	v6 =	vcvt.f32.s32 v6;
	v3 =	vtrunc.f32 v3  }
0x175: {  	v5 =	vtrunc.f32 v5;
	v4 =	vtrunc.f32 v4;
	v12 =	vshll.u32 v12, $0xC  }
0x176: {  	v13 =	vadd.s32 v14, v13;
	v3 =	vcvt.f32.s32 v3;
	v5 =	vcvt.f32.s32 v5  }
0x177: {  	v4 =	vcvt.f32.s32 v4;
	v8 =	vshll.u32 v8, $0x8;
	v10 =	vshll.u32 v10, $0xC  }
0x178: {  	v7 =	vshll.u32 v7, $0x8;
	v9 =	vshll.u32 v9, $0x4;
	v8 =	vadd.s32 v12, v8  }
0x179: {  	v6 =	vshll.u32 v6, $0x4;
	v7 =	vadd.s32 v10, v7;
	v8 =	vadd.s32 v9, v8  }
0x17a: {  	v11 =	vshll.u32 v11, $0x4;
	v6 =	vadd.s32 v6, v7;
	v3 =	vadd.s32 v3, v8  }
0x17b: {  	v7 =	vadd.s32 v11, v13;
	v5 =	vadd.s32 v5, v6  }
0x17c: {  	v4 =	vadd.s32 v4, v7  }
0x17d: {  	p0 =	seq.s32 s22, $0xF  }
0x17e: {  	s0 =	sshll.u32 @!p0 s22, $0xF  }
0x17f: {  	s0 =	sadd.s32 @!p0 s0, s9;
	[tilespmem:v3+s15+$0x0] =	vst.idx.add.f32.msk $0xffff, v2  }
0x180: {  	s0 =	sshrl.u32 @!p0 s0, $0x3;
	[tilespmem:v5+s15+$0x0] =	vst.idx.add.f32.msk $0xffff, v2  }
0x181: {  	s2 =	simm.s32 @!p0 $0x0;
	s0 =	sadd.s32 @!p0 s1, s0;
	[tilespmem:v4+s15+$0x0] =	vst.idx.add.f32.msk $0xffff, v2  }
0x182: {  	[tilespmem:s2], [sflag:$0x1] =	stream.linear.gather @!p0 [hbm4b:s0+s2], $0x4000, $0x38;
	[tilespmem:$0x1A200] =	vst v63  }
0x183: {  	s23 =	simm.s32 $0x0;
	s24 =	simm.s32 $0x0;
	_ =	swait.ge [sflag:s16], $0x4000  }
0x184: {  	s28 =	sand.u32 $0x40, s24;
	s17 =	sand.u32 $0x3E00, s23;
	[sflag:s16] =	ssyncset.done $0x0  }
0x185: {  	s2 =	sor.u32 s28, s17;
	[sflag:s16] =	ssyncadd.s32 $0xFFFFC000  }
0x186: {  	v3 =	vld [tilespmem:s2+$0x4030]  }
0x187: {  	p0 =	por $0x0, $0x0;
	s0 =	simm.s32 $0x1;
	v4 =	vld [tilespmem:s2+$0x40B0]  }
0x188: {  	s0 =	simm.s32 @!p0 $0x0;
	v8 =	vld [tilespmem:s2+$0x4080]  }
0x189: {  	s0 =	sshll.u32 s0, $0x6;
	v9 =	vld [tilespmem:s2+$0x4010]  }
0x18a: {  	s0 =	sadd.s32 $0x0, s0;
	v10 =	vld [tilespmem:s2+$0x4090]  }
0x18b: {  	s29 =	sadd.s32 $0x30, s0;
	v11 =	vld [tilespmem:s2+$0x4020]  }
0x18c: {  	v12 =	vld [tilespmem:s2+$0x40A0];
	s25 =	sor.u32 $0x100, s29  }
0x18d: {  	s17 =	sor.u32 $0x180, s29;
	v5 =	vld [tilespmem:s25+$0x4000]  }
0x18e: {  	v6 =	vld [tilespmem:s17+$0x4000];
	v3 =	vmul.f32 $2.666666750e+00, v3;
	v4 =	vmul.f32 $2.666666750e+00, v4  }
0x18f: {  	v7 =	vld [tilespmem:s2+$0x4000];
	v8 =	vmul.f32 $2.666666750e+00, v8;
	v9 =	vmul.f32 $2.666666750e+00, v9  }
0x190: {  	v10 =	vmul.f32 $2.666666750e+00, v10;
	v11 =	vmul.f32 $2.666666750e+00, v11  }
0x191: {  	v12 =	vmul.f32 $2.666666750e+00, v12;
	v3 =	vadd.f32 $8.000000000e+00, v3;
	v4 =	vadd.f32 $8.000000000e+00, v4  }
0x192: {  	v5 =	vmul.f32 $2.666666750e+00, v5;
	v8 =	vadd.f32 $8.000000000e+00, v8;
	v9 =	vadd.f32 $8.000000000e+00, v9  }
0x193: {  	v6 =	vmul.f32 $2.666666750e+00, v6;
	v10 =	vadd.f32 $8.000000000e+00, v10;
	v11 =	vadd.f32 $8.000000000e+00, v11  }
0x194: {  	v7 =	vmul.f32 $2.666666750e+00, v7;
	v12 =	vadd.f32 $8.000000000e+00, v12;
	v5 =	vadd.f32 $8.000000000e+00, v5  }
0x195: {  	v3 =	vmax.f32 v3, $0.0e+00;
	v6 =	vadd.f32 $8.000000000e+00, v6;
	v4 =	vmax.f32 v4, $0.0e+00  }
0x196: {  	v8 =	vmax.f32 v8, $0.0e+00;
	v9 =	vmax.f32 v9, $0.0e+00;
	v10 =	vmax.f32 v10, $0.0e+00  }
0x197: {  	v11 =	vmax.f32 v11, $0.0e+00;
	v12 =	vmax.f32 v12, $0.0e+00;
	v3 =	vmin.f32 v3, $1.500000000e+01  }
0x198: {  	s30 =	sadd.s32 $0x10, s0;
	v4 =	vmin.f32 v4, $1.500000000e+01;
	v8 =	vmin.f32 v8, $1.500000000e+01;
	v9 =	vmin.f32 v9, $1.500000000e+01  }
0x199: {  	s31 =	sadd.s32 $0x20, s0;
	s26 =	sor.u32 $0x100, s30;
	v10 =	vmin.f32 v10, $1.500000000e+01;
	v11 =	vmin.f32 v11, $1.500000000e+01;
	v5 =	vmax.f32 v5, $0.0e+00  }
0x19a: {  	s28 =	sor.u32 $0x100, s31;
	v13 =	vld [tilespmem:s26+$0x4000];
	v3 =	vtrunc.f32 v3;
	v4 =	vtrunc.f32 v4;
	v6 =	vmax.f32 v6, $0.0e+00  }
0x19b: {  	s29 =	sor.u32 $0x100, s0;
	v14 =	vld [tilespmem:s28+$0x4000];
	v5 =	vmin.f32 v5, $1.500000000e+01;
	v3 =	vcvt.f32.s32 v3;
	v4 =	vcvt.f32.s32 v4  }
0x19c: {  	s30 =	sor.u32 $0x180, s30;
	v15 =	vld [tilespmem:s29+$0x4000];
	v12 =	vmin.f32 v12, $1.500000000e+01;
	v6 =	vmin.f32 v6, $1.500000000e+01;
	v5 =	vtrunc.f32 v5  }
0x19d: {  	s31 =	sor.u32 $0x180, s31;
	v16 =	vld [tilespmem:s30+$0x4000];
	v5 =	vcvt.f32.s32 v5;
	v3 =	vshll.u32 v3, $0xC;
	v4 =	vshll.u32 v4, $0x8  }
0x19e: {  	v18 =	vtrunc.f32 v8;
	v6 =	vtrunc.f32 v6;
	v3 =	vadd.s32 v3, v4;
	v4 =	vld [tilespmem:s31+$0x4000]  }
0x19f: {  	s0 =	sor.u32 $0x180, s0;
	v19 =	vtrunc.f32 v9;
	v6 =	vcvt.f32.s32 v6;
	v5 =	vshll.u32 v5, $0x4  }
0x1a0: {  	v8 =	vtrunc.f32 v10;
	v10 =	vtrunc.f32 v11;
	v3 =	vadd.s32 v5, v3;
	v5 =	vld [tilespmem:s0+$0x4000]  }
0x1a1: {  	v17 =	vadd.s32 v6, v3;
	v6 =	vmul.f32 $2.666666750e+00, v13;
	v13 =	vmul.f32 $2.666666750e+00, v15  }
0x1a2: {  	v3 =	vadd.f32 $8.000000000e+00, v7;
	v7 =	vmul.f32 $2.666666750e+00, v14;
	v14 =	vmul.f32 $2.666666750e+00, v16  }
0x1a3: {  	v6 =	vadd.f32 $8.000000000e+00, v6;
	v4 =	vmul.f32 $2.666666750e+00, v4;
	v13 =	vadd.f32 $8.000000000e+00, v13  }
0x1a4: {  	v7 =	vadd.f32 $8.000000000e+00, v7;
	v3 =	vmax.f32 v3, $0.0e+00;
	v14 =	vadd.f32 $8.000000000e+00, v14  }
0x1a5: {  	v3 =	vmin.f32 v3, $1.500000000e+01;
	v5 =	vmul.f32 $2.666666750e+00, v5;
	v6 =	vmax.f32 v6, $0.0e+00  }
0x1a6: {  	v7 =	vmax.f32 v7, $0.0e+00;
	v13 =	vmax.f32 v13, $0.0e+00;
	v4 =	vadd.f32 $8.000000000e+00, v4  }
0x1a7: {  	v63 =	vtrunc.f32 v3;
	v3 =	vmax.f32 v14, $0.0e+00;
	v6 =	vmin.f32 v6, $1.500000000e+01  }
0x1a8: {  	v15 =	vmin.f32 v13, $1.500000000e+01;
	v13 =	vmin.f32 v7, $1.500000000e+01;
	v7 =	vtrunc.f32 v12  }
0x1a9: {  	v3 =	vmin.f32 v3, $1.500000000e+01;
	v14 =	vcvt.f32.s32 v63;
	v5 =	vadd.f32 $8.000000000e+00, v5  }
0x1aa: {  	v12 =	vcvt.f32.s32 v19;
	v4 =	vmax.f32 v4, $0.0e+00;
	v9 =	vtrunc.f32 v6  }
0x1ab: {  	v6 =	vtrunc.f32 v13;
	v13 =	vcvt.f32.s32 v18;
	v20 =	vmax.f32 v5, $0.0e+00  }
0x1ac: {  	p0 =	por !p0, !p0;
	[tilespmem:v17+s15+$0x0] =	vst.idx.add.f32.msk $0xffff, v2;
	v11 =	vtrunc.f32 v15;
	v5 =	vmin.f32 v4, $1.500000000e+01;
	v4 =	vmin.f32 v20, $1.500000000e+01  }
.LBB2_7:
0x1ad: {  	s0 =	simm.s32 $0x1  }
0x1ae: {  	s24 =	sadd.s32 $0x40, s24;
	v14 =	vshll.u32 v14, $0xC;
	v8 =	vcvt.f32.s32 v8;
	v10 =	vcvt.f32.s32 v10;
	s23 =	sadd.s32 $0x100, s23;
	s0 =	simm.s32 @!p0 $0x0  }
0x1af: {  	v13 =	vshll.u32 v13, $0x8;
	v9 =	vcvt.f32.s32 v9;
	v7 =	vcvt.f32.s32 v7;
	s2 =	sand.u32 $0x40, s24;
	s17 =	sand.u32 $0x3E00, s23;
	s0 =	sshll.u32 s0, $0x6  }
0x1b0: {  	v11 =	vcvt.f32.s32 v11;
	v6 =	vcvt.f32.s32 v6;
	p1 =	slt.u32 s24, $0xFC0;
	v12 =	vshll.u32 v12, $0xC;
	s25 =	sor.u32 s2, s17;
	s0 =	sadd.s32 s0, s23  }
0x1b1: {  	v8 =	vshll.u32 v8, $0x8;
	v10 =	vshll.u32 v10, $0xC;
	v7 =	vshll.u32 v7, $0x8;
	s2 =	sadd.s32 $0x10, s0;
	s17 =	sadd.s32 $0x20, s0;
	v15 =	vld [tilespmem:s25+$0x4030];
	s26 =	sadd.s32 $0x30, s0  }
0x1b2: {  	v3 =	vtrunc.f32 v3;
	v5 =	vtrunc.f32 v5;
	v9 =	vshll.u32 v9, $0x4;
	s28 =	sor.u32 $0x100, s2;
	s29 =	sor.u32 $0x100, s17;
	v16 =	vld [tilespmem:s25+$0x40B0];
	s30 =	sor.u32 $0x100, s26  }
0x1b3: {  	v4 =	vtrunc.f32 v4;
	v11 =	vshll.u32 v11, $0x4;
	v6 =	vshll.u32 v6, $0x4;
	s31 =	sor.u32 $0x100, s0;
	s2 =	sor.u32 $0x180, s2;
	s26 =	sor.u32 $0x180, s26;
	v17 =	vld [tilespmem:s30+$0x4000]  }
0x1b4: {  	v13 =	vadd.s32 v14, v13;
	v8 =	vadd.s32 v12, v8;
	v7 =	vadd.s32 v10, v7;
	s0 =	sor.u32 $0x180, s0;
	s17 =	sor.u32 $0x180, s17;
	v18 =	vld [tilespmem:s26+$0x4000]  }
0x1b5: {  	v3 =	vcvt.f32.s32 v3;
	v5 =	vcvt.f32.s32 v5;
	v8 =	vadd.s32 v9, v8;
	v10 =	vld [tilespmem:s25+$0x4000]  }
0x1b6: {  	v4 =	vcvt.f32.s32 v4;
	v6 =	vadd.s32 v6, v7;
	v9 =	vld [tilespmem:s25+$0x4080];
	v12 =	vmul.f32 $2.666666750e+00, v15  }
0x1b7: {  	v11 =	vadd.s32 v11, v13;
	v3 =	vadd.s32 v3, v8;
	v7 =	vld [tilespmem:s25+$0x4010];
	v14 =	vmul.f32 $2.666666750e+00, v16  }
0x1b8: {  	v5 =	vadd.s32 v5, v6;
	v8 =	vld [tilespmem:s25+$0x4090];
	v12 =	vadd.f32 $8.000000000e+00, v12;
	v13 =	vmul.f32 $2.666666750e+00, v17  }
0x1b9: {  	v4 =	vadd.s32 v4, v11;
	v6 =	vld [tilespmem:s25+$0x4020];
	v14 =	vadd.f32 $8.000000000e+00, v14;
	v15 =	vmul.f32 $2.666666750e+00, v18  }
0x1ba: {  	v10 =	vmul.f32 $2.666666750e+00, v10;
	v11 =	vld [tilespmem:s25+$0x40A0];
	v13 =	vadd.f32 $8.000000000e+00, v13;
	v12 =	vmax.f32 v12, $0.0e+00  }
0x1bb: {  	v16 =	vld [tilespmem:s28+$0x4000];
	v15 =	vadd.f32 $8.000000000e+00, v15;
	v12 =	vmin.f32 v12, $1.500000000e+01;
	v14 =	vmax.f32 v14, $0.0e+00  }
0x1bc: {  	v17 =	vld [tilespmem:s29+$0x4000];
	v14 =	vmin.f32 v14, $1.500000000e+01;
	v13 =	vmax.f32 v13, $0.0e+00;
	v12 =	vtrunc.f32 v12  }
0x1bd: {  	v18 =	vld [tilespmem:s31+$0x4000];
	v13 =	vmin.f32 v13, $1.500000000e+01;
	v12 =	vcvt.f32.s32 v12;
	v14 =	vtrunc.f32 v14  }
0x1be: {  	v15 =	vmax.f32 v15, $0.0e+00;
	v19 =	vld [tilespmem:s2+$0x4000];
	v14 =	vcvt.f32.s32 v14;
	v13 =	vtrunc.f32 v13  }
0x1bf: {  	v9 =	vmul.f32 $2.666666750e+00, v9;
	v15 =	vmin.f32 v15, $1.500000000e+01;
	v20 =	vld [tilespmem:s17+$0x4000];
	v13 =	vcvt.f32.s32 v13  }
0x1c0: {  	v15 =	vtrunc.f32 v15;
	v12 =	vshll.u32 v12, $0xC;
	v21 =	vld [tilespmem:s0+$0x4000];
	v14 =	vshll.u32 v14, $0x8  }
0x1c1: {  	v15 =	vcvt.f32.s32 v15;
	v13 =	vshll.u32 v13, $0x4;
	v12 =	vadd.s32 v12, v14;
	[tilespmem:v3+s15+$0x0] =	vst.idx.add.f32.msk $0xffff, v2  }
0x1c2: {  	v3 =	vmul.f32 $2.666666750e+00, v7;
	v7 =	vmul.f32 $2.666666750e+00, v8;
	v8 =	vadd.s32 v13, v12;
	[tilespmem:v5+s15+$0x0] =	vst.idx.add.f32.msk $0xffff, v2  }
0x1c3: {  	v5 =	vmul.f32 $2.666666750e+00, v6;
	v6 =	vmul.f32 $2.666666750e+00, v11;
	v8 =	vadd.s32 v15, v8;
	[tilespmem:v4+s15+$0x0] =	vst.idx.add.f32.msk $0xffff, v2  }
0x1c4: {  	v11 =	vmul.f32 $2.666666750e+00, v17;
	v4 =	vadd.f32 $8.000000000e+00, v10;
	v10 =	vmul.f32 $2.666666750e+00, v16  }
0x1c5: {  	v9 =	vadd.f32 $8.000000000e+00, v9;
	v12 =	vmul.f32 $2.666666750e+00, v18;
	v3 =	vadd.f32 $8.000000000e+00, v3  }
0x1c6: {  	v7 =	vadd.f32 $8.000000000e+00, v7;
	v13 =	vmul.f32 $2.666666750e+00, v19;
	v5 =	vadd.f32 $8.000000000e+00, v5  }
0x1c7: {  	v6 =	vadd.f32 $8.000000000e+00, v6;
	v14 =	vmul.f32 $2.666666750e+00, v20;
	v10 =	vadd.f32 $8.000000000e+00, v10  }
0x1c8: {  	v12 =	vadd.f32 $8.000000000e+00, v12;
	v11 =	vadd.f32 $8.000000000e+00, v11;
	v15 =	vmul.f32 $2.666666750e+00, v21;
	[tilespmem:v8+s15+$0x0] =	vst.idx.add.f32.msk $0xffff, v2  }
0x1c9: {  	v4 =	vmax.f32 v4, $0.0e+00;
	v3 =	vmax.f32 v3, $0.0e+00;
	v8 =	vmax.f32 v9, $0.0e+00  }
0x1ca: {  	v7 =	vmax.f32 v7, $0.0e+00;
	v5 =	vmax.f32 v5, $0.0e+00;
	v6 =	vmax.f32 v6, $0.0e+00  }
0x1cb: {  	v4 =	vmin.f32 v4, $1.500000000e+01;
	v9 =	vmax.f32 v10, $0.0e+00;
	v10 =	vmax.f32 v11, $0.0e+00  }
0x1cc: {  	v3 =	vmin.f32 v3, $1.500000000e+01;
	v11 =	vmax.f32 v12, $0.0e+00;
	v8 =	vmin.f32 v8, $1.500000000e+01  }
0x1cd: {  	v7 =	vmin.f32 v7, $1.500000000e+01;
	v5 =	vmin.f32 v5, $1.500000000e+01;
	v6 =	vmin.f32 v6, $1.500000000e+01  }
0x1ce: {  	v12 =	vadd.f32 $8.000000000e+00, v13;
	v13 =	vadd.f32 $8.000000000e+00, v14;
	v9 =	vmin.f32 v9, $1.500000000e+01  }
0x1cf: {  	v14 =	vadd.f32 $8.000000000e+00, v15;
	v11 =	vmin.f32 v11, $1.500000000e+01;
	v15 =	vmin.f32 v10, $1.500000000e+01  }
0x1d0: {  	v4 =	vtrunc.f32 v4;
	v16 =	vtrunc.f32 v8;
	v12 =	vmax.f32 v12, $0.0e+00  }
.Ltmp2:
0x1d1: {  	v17 =	vtrunc.f32 v3;
	v8 =	vtrunc.f32 v7;
	v18 =	vmax.f32 v13, $0.0e+00;
	(pc) =	sbr.rel @p1 .LBB2_7-.Ltmp2, $4  }
0x1d2: {  	v10 =	vtrunc.f32 v5;
	v19 =	vmax.f32 v14, $0.0e+00;
	v7 =	vtrunc.f32 v6  }
0x1d3: {  	v9 =	vtrunc.f32 v9;
	v6 =	vtrunc.f32 v15;
	v3 =	vmin.f32 v12, $1.500000000e+01  }
0x1d4: {  	v14 =	vcvt.f32.s32 v4;
	v13 =	vcvt.f32.s32 v16;
	v5 =	vmin.f32 v18, $1.500000000e+01  }
0x1d5: {  	p0 =	por !p0, !p0;
	v11 =	vtrunc.f32 v11;
	v4 =	vmin.f32 v19, $1.500000000e+01;
	v12 =	vcvt.f32.s32 v17  }
0x1d6: {  	v8 =	vcvt.f32.s32 v8  }
0x1d7: {  	v10 =	vcvt.f32.s32 v10;
	v9 =	vcvt.f32.s32 v9  }
0x1d8: {  	v14 =	vshll.u32 v14, $0xC;
	v7 =	vcvt.f32.s32 v7;
	v11 =	vcvt.f32.s32 v11  }
0x1d9: {  	v13 =	vshll.u32 v13, $0x8;
	v6 =	vcvt.f32.s32 v6;
	v3 =	vtrunc.f32 v3  }
0x1da: {  	v5 =	vtrunc.f32 v5;
	v4 =	vtrunc.f32 v4;
	v12 =	vshll.u32 v12, $0xC  }
0x1db: {  	v13 =	vadd.s32 v14, v13;
	v3 =	vcvt.f32.s32 v3;
	v5 =	vcvt.f32.s32 v5  }
0x1dc: {  	v4 =	vcvt.f32.s32 v4;
	v8 =	vshll.u32 v8, $0x8;
	v10 =	vshll.u32 v10, $0xC  }
0x1dd: {  	v7 =	vshll.u32 v7, $0x8;
	v9 =	vshll.u32 v9, $0x4;
	v11 =	vshll.u32 v11, $0x4  }
0x1de: {  	v6 =	vshll.u32 v6, $0x4;
	v8 =	vadd.s32 v12, v8;
	v63 =	vadd.s32 v11, v13  }
0x1df: {  	v7 =	vadd.s32 v10, v7;
	v8 =	vadd.s32 v9, v8;
	v4 =	vadd.s32 v4, v63  }
0x1e0: {  	s22 =	sadd.s32 $0x1, s22;
	v6 =	vadd.s32 v6, v7;
	v3 =	vadd.s32 v3, v8  }
0x1e1: {  	p0 =	sne.s32 s22, $0x10;
	v5 =	vadd.s32 v5, v6  }
.Ltmp3:
0x1e2: {  	_ = 	snop;
	(pc) =	sbr.rel @p0 .LBB2_4-.Ltmp3, $4  }
0x1e3: {  	_ = 	snop  }
0x1e4: {  	[tilespmem:v4+s15+$0x0] =	vst.idx.add.f32.msk $0xffff, v2  }
0x1e5: {  	[tilespmem:v3+s15+$0x0] =	vst.idx.add.f32.msk $0xffff, v2  }
0x1e6: {  	[tilespmem:v5+s15+$0x0] =	vst.idx.add.f32.msk $0xffff, v2  }
0x1e7: {  	[bflag:$0x0] =	sbarrier.arrive $0xFFFF;
	s0 =	simm.s32 $0x200  }
0x1e8: {  	[spmem:s3] =	stream.indirect.scatter.add.f32 [tilespmem:s15], [sflag:$0x3], $0x80, s18, s0, $0xb8;
	[tilespmem:$0x1A200] =	vst v63  }
0x1e9: {  	_ =	swait.ge [sflag:s12], $0x10000  }
0x1ea: {  	[sflag:s12] =	ssyncset.done $0x0  }
0x1eb: {  	[sflag:s12] =	ssyncadd.s32 $0xFFFF0000  }
0x1ec: {  	[bflag:$0x0] =	sbarrier.arrive $0xFFFF  }
0x1ed: {  	[tilespmem:s19], [sflag:$0x3] =	stream.linear.gather [spmem:s5], $0x1000, $0x38;
	[tilespmem:$0x1A200] =	vst v63  }
0x1ee: {  	s20 =	sadd.s32 $0x1, s20;
	_ =	swait.ge [sflag:s12], $0x1000  }
0x1ef: {  	p0 =	sne.s32 s20, s11;
	[sflag:s12] =	ssyncset.done $0x0  }
.Ltmp4:
0x1f0: {  	[sflag:s12] =	ssyncadd.s32 $0xFFFFF000;
	(pc) =	sbr.rel @p0 .LBB2_1-.Ltmp4, $4  }
0x1f1: {  	[hbm4b:s10+s4] =	stream.linear.scatter [tilespmem:s19], [sflag:$0x3], $0x1000, $0x38;
	[tilespmem:$0x1A200] =	vst v63  }
0x1f2: {  	_ =	swait.ge [sflag:s12], $0x1000  }
0x1f3: {  	[sflag:s12] =	ssyncset.done $0x0  }
0x1f4: {  	[sflag:s12] =	ssyncadd.s32 $0xFFFFF000  }
0x1f5: {  	_ =	sfence.sel $0x180000  }
0x1f6: {  	[bflag:$0x0] =	sbarrier.arrive $0xFFFF  }
0x1f7: {  	_ =	strace $0x90000047  }
0x1f8: {  	s0 =	stileid.u32;
	[bflag:$0x2] =	sbarrier.arrive $0xFFFF  }
0x1f9: {  	p0 =	sne.s32 s0, $0x0;
	s0 =	rddreg [dreg:$0x3]  }
0x1fa: {  	s0 =	sadd.s32 @!p0 $0x100000, s0  }
0x1fb: {  	[sflag:s0] =	ssyncadd.tile.s32 @!p0 $0x1;
	_ =	shalt  }
.Lfunc_end2:
_tile_overlayer_lowered:
.L_overlay_start_2:
0x1fc: {  	(tag) =	ssettag $0x2  }
0x1fd: {  	s0 =	rddreg [dreg:$0x0];
	s2 =	stileid.u32  }
0x1fe: {  	s1 =	rddreg [dreg:$0x1];
	p0 =	sne.s32 s2, $0x0  }
0x1ff: {  	s3 =	rddreg [dreg:$0x2];
	[bflag:$0x3] =	sbarrier.arrive $0xFFFF;
	s2 =	simm.s32 @!p0 $0x1C03  }
0x200: {  	[timem:s3], [sflag:s2] =	dma.local @!p0 [hbm:s0], s1  }
0x201: {  	s0 =	simm.s32 @!p0 $0x3  }
0x202: {  	_ =	swait.ge @!p0 [sflag:s0], s1  }
0x203: {  	s1 =	ssub.s32 @!p0 $0x0, s1;
	[sflag:s0] =	ssyncset.done @!p0 $0x0  }
0x204: {  	[sflag:s0] =	ssyncadd.s32 @!p0 s1  }
0x205: {  	[bflag:$0x3] =	sbarrier.arrive $0xFFFF  }
0x206: {  	_ =	shalt  }

</sc_bundles>
